<compile_context>
chip_gen: v7x
topology: tpu7x:2x2x1
jax: 0.10.2.dev20260603
libtpu: 0.0.44.dev20260713+nightly
codegen_flags: <defaults>
</compile_context>

<pallas_src>
import functools

import jax
import jax.numpy as jnp
from jax import lax
from jax.experimental import pallas as pl
from jax.experimental.pallas import tpu as pltpu
from jax.experimental.pallas import tpu_sc as plsc

SEQ = 32768
BLK = 128
NB = SEQ // BLK
L = 16
NS = 16
ROWS_PER_WORKER = NB // NS
HALF = NB // 2


def _body(doc_hbm, kv_num_hbm, kv_idx_hbm, q_num_hbm, q_idx_hbm,
          s_lo_v, s_hi_v, e_lo_v, e_hi_v, ds_v, de_v, nbuf_v, mbuf_v,
          kvrows_v, qrows_v, sem):
    iota = lax.iota(jnp.int32, L)
    wid = lax.axis_index("s")

    for j in range(HALF // L):
        lo = (iota + (L * j)) * BLK
        hi = (iota + (L * j + HALF)) * BLK
        s_lo_v[pl.ds(L * j, L)] = lo
        s_hi_v[pl.ds(L * j, L)] = hi
        e_lo_v[pl.ds(L * j, L)] = lo + (BLK - 1)
        e_hi_v[pl.ds(L * j, L)] = hi + (BLK - 1)

    c1 = pltpu.async_copy(doc_hbm.at[s_lo_v], ds_v.at[pl.ds(0, HALF)], sem)
    c2 = pltpu.async_copy(doc_hbm.at[s_hi_v], ds_v.at[pl.ds(HALF, HALF)], sem)
    c3 = pltpu.async_copy(doc_hbm.at[e_lo_v], de_v.at[pl.ds(0, HALF)], sem)
    c4 = pltpu.async_copy(doc_hbm.at[e_hi_v], de_v.at[pl.ds(HALF, HALF)], sem)
    c1.wait()
    c2.wait()
    c3.wait()
    c4.wait()

    q0 = wid * ROWS_PER_WORKER
    qv = q0 + iota
    de_lanes = plsc.load_gather(de_v, [qv])
    ds_lanes = plsc.load_gather(ds_v, [qv])
    lo1 = jnp.zeros((L,), jnp.int32)
    hi1 = jnp.full((L,), NB, jnp.int32)
    lo2 = jnp.zeros((L,), jnp.int32)
    hi2 = jnp.full((L,), NB, jnp.int32)
    for _ in range(8):
        mid1 = jnp.right_shift(lo1 + hi1, 1)
        v1 = plsc.load_gather(ds_v, [mid1])
        k1 = v1 <= de_lanes
        lo1 = jnp.where(k1, mid1 + 1, lo1)
        hi1 = jnp.where(k1, hi1, mid1)
        mid2 = jnp.right_shift(lo2 + hi2, 1)
        v2 = plsc.load_gather(de_v, [mid2])
        k2 = v2 < ds_lanes
        lo2 = jnp.where(k2, mid2 + 1, lo2)
        hi2 = jnp.where(k2, hi2, mid2)
    n_vec = lo1 - qv
    m_vec = qv - lo2 + 1
    nbuf_v[pl.ds(L, L)] = n_vec
    mbuf_v[pl.ds(L, L)] = m_vec
    cn = pltpu.async_copy(nbuf_v.at[pl.ds(L, L)],
                          kv_num_hbm.at[0, 0, pl.ds(q0, L)], sem)
    cm = pltpu.async_copy(mbuf_v.at[pl.ds(L, L)],
                          q_num_hbm.at[0, 0, pl.ds(q0, L)], sem)

    @pl.loop(0, ROWS_PER_WORKER)
    def _kv_row(l):
        qb = q0 + l
        n = plsc.load_gather(nbuf_v, [jnp.full((L,), L, jnp.int32) + l])
        t = n + qb

        @pl.loop(0, NB // L, unroll=4)
        def _chunk(j):
            p = iota + L * j
            val = jnp.where(p < n, qb + p,
                            jnp.where(p < t, p - n, p))
            kvrows_v[l, pl.ds(L * j, L)] = val

    ckv = pltpu.async_copy(kvrows_v,
                           kv_idx_hbm.at[0, 0, pl.ds(q0, ROWS_PER_WORKER), :],
                           sem)

    @pl.loop(0, ROWS_PER_WORKER)
    def _q_row(l):
        kb = q0 + l
        m = plsc.load_gather(mbuf_v, [jnp.full((L,), L, jnp.int32) + l])
        u = kb - m + 1

        @pl.loop(0, NB // L, unroll=4)
        def _chunk(j):
            p = iota + L * j
            val = jnp.where(p < m, u + p,
                            jnp.where(p < kb + 1, p - m, p))
            qrows_v[l, pl.ds(L * j, L)] = val

    cq = pltpu.async_copy(qrows_v,
                          q_idx_hbm.at[0, 0, pl.ds(q0, ROWS_PER_WORKER), :],
                          sem)
    cn.wait()
    cm.wait()
    ckv.wait()
    cq.wait()


_block_mask_sc = functools.partial(
    pl.kernel,
    mesh=plsc.VectorSubcoreMesh(core_axis_name="c", subcore_axis_name="s", num_cores=1),
    compiler_params=pltpu.CompilerParams(needs_layout_passes=False),
    out_type=[
        jax.ShapeDtypeStruct((1, 1, NB), jnp.int32),
        jax.ShapeDtypeStruct((1, 1, NB, NB), jnp.int32),
        jax.ShapeDtypeStruct((1, 1, NB), jnp.int32),
        jax.ShapeDtypeStruct((1, 1, NB, NB), jnp.int32),
    ],
    scratch_types=[
        pltpu.VMEM((HALF,), jnp.int32),
        pltpu.VMEM((HALF,), jnp.int32),
        pltpu.VMEM((HALF,), jnp.int32),
        pltpu.VMEM((HALF,), jnp.int32),
        pltpu.VMEM((NB,), jnp.int32),
        pltpu.VMEM((NB,), jnp.int32),
        pltpu.VMEM((2 * L,), jnp.int32),
        pltpu.VMEM((2 * L,), jnp.int32),
        pltpu.VMEM((ROWS_PER_WORKER, NB), jnp.int32),
        pltpu.VMEM((ROWS_PER_WORKER, NB), jnp.int32),
        pltpu.SemaphoreType.DMA,
    ],
)(_body)


def kernel(x, document_id):
    del x
    kv_num, kv_idx, q_num, q_idx = _block_mask_sc(document_id)
    blk = jnp.array([BLK], dtype=jnp.int32)
    return (kv_num, kv_idx, q_num, q_idx, blk, blk)

# --- scband reference (transcript-rebuilt; emitter-appended) ---
"""Pipeline reference for scband-my-model-61933428410129 (READ-ONLY COPY).

The authoritative reference and input builder live on the scoring server;
editing this copy changes nothing except your own understanding.
"""

import jax, jax.numpy as jnp
import numpy as np

M = 32768
N = 32768
Q_BLOCK_SIZE = 128
KV_BLOCK_SIZE = 128


def _make_document_id():
    doc = np.zeros(32768, dtype=np.int32)
    doc[:4096] = 0
    for i in range(4096, 32768, 2048):
        doc[i:i + 2048] = i // 2048
    return jnp.asarray(doc)


def setup_inputs(seed: int = 0) -> dict:
    key = jax.random.key(seed)
    x = jax.random.normal(key, (4, 32768, 64), dtype=jnp.float32)
    return {"x": x, "document_id": _make_document_id()}


def reference(x, document_id):
    # q_idx / kv_idx broadcast grids, exactly as in the torch module
    q_idx = jnp.arange(M, dtype=jnp.int32).reshape(1, 1, M, 1)
    kv_idx = jnp.arange(N, dtype=jnp.int32).reshape(1, 1, 1, N)
    causal_mask = q_idx <= kv_idx
    document_mask = document_id[q_idx] == document_id[kv_idx]
    combined_mask = jnp.logical_and(causal_mask, document_mask)
    # Torch does: qk_masked = where(combined, 0, -inf); mask = ~isneginf(qk_masked)
    # which is mathematically identical to `combined_mask` (avoids a 4GB f32 temp).
    mask = combined_mask
    # _convert_mask_to_block_mask: view -> permute -> sum over intra-block dims > 0
    bm = mask.reshape(1, 1, M // Q_BLOCK_SIZE, Q_BLOCK_SIZE, N // KV_BLOCK_SIZE, KV_BLOCK_SIZE)
    block_mask = jnp.any(bm, axis=(3, 5))  # == (sum over block dims) > 0
    # _create_block_mask_from_mask
    bi = block_mask.astype(jnp.int32)  # torch used int8; int32 equivalent for these ops
    kv_num_blocks = jnp.sum(bi, axis=3).astype(jnp.int32)
    # stable descending argsort == stable ascending argsort of negated values
    kv_indices = jnp.argsort(-bi, axis=3).astype(jnp.int32)
    q_num_blocks = jnp.sum(bi, axis=2).astype(jnp.int32)
    q_indices = jnp.transpose(jnp.argsort(-bi, axis=2), (0, 1, 3, 2)).astype(jnp.int32)
    return (kv_num_blocks, kv_indices, q_num_blocks, q_indices,
            jnp.array([KV_BLOCK_SIZE], dtype=jnp.int32),
            jnp.array([Q_BLOCK_SIZE], dtype=jnp.int32))

if __name__ == "__main__":
    import jax
    _d = setup_inputs()
    print(jax.jit(kernel)(*tuple(_d.values())))

</pallas_src>

<mosaic_0001>
#map = affine_map<(d0, d1) -> (0)>
#map1 = affine_map<(d0, d1) -> (0, 0, 0)>
#map2 = affine_map<(d0, d1) -> (0, 0, 0, 0)>
module attributes {stable_mosaic.version = 14 : i64} {
  func.func @_body(%arg0: i32, %arg1: i32, %arg2: memref<32768xi32, #tpu.memory_space<hbm>>, %arg3: memref<1x1x256xi32, #tpu.memory_space<hbm>>, %arg4: memref<1x1x256x256xi32, #tpu.memory_space<hbm>>, %arg5: memref<1x1x256xi32, #tpu.memory_space<hbm>>, %arg6: memref<1x1x256x256xi32, #tpu.memory_space<hbm>>, %arg7: memref<128xi32, #tpu.memory_space<vmem>>, %arg8: memref<128xi32, #tpu.memory_space<vmem>>, %arg9: memref<128xi32, #tpu.memory_space<vmem>>, %arg10: memref<128xi32, #tpu.memory_space<vmem>>, %arg11: memref<256xi32, #tpu.memory_space<vmem>>, %arg12: memref<256xi32, #tpu.memory_space<vmem>>, %arg13: memref<32xi32, #tpu.memory_space<vmem>>, %arg14: memref<32xi32, #tpu.memory_space<vmem>>, %arg15: memref<16x256xi32, #tpu.memory_space<vmem>>, %arg16: memref<16x256xi32, #tpu.memory_space<vmem>>, %arg17: memref<!tpu.dma_semaphore, #tpu.memory_space<semaphore_mem>>) attributes {dimension_semantics = [#tpu.dimension_semantics<core_parallel>, #tpu.dimension_semantics<subcore_parallel>], iteration_bounds = array<i64: 1, 16>, scalar_prefetch = 0 : i64, scratch_operands = 11 : i64, tpu.core_type = #tpu.core_type<sc_vector_subcore>, window_params = [{transform_indices = #map}, {transform_indices = #map1}, {transform_indices = #map2}, {transform_indices = #map1}, {transform_indices = #map2}]} {
    %iota3A = tpu.iota {dimensions = array<i32: 0>} : vector<16xi32>
    %add3A = arith.constant 0 : i32
    %add3A_0 = vector.broadcast %add3A : i32 to vector<16xi32>
    %add3A_1 = arith.addi %iota3A, %add3A_0 : vector<16xi32>
    %mul3A = arith.constant 128 : i32
    %mul3A_2 = vector.broadcast %mul3A : i32 to vector<16xi32>
    %mul3A_3 = arith.muli %add3A_1, %mul3A_2 : vector<16xi32>
    %add3A_4 = arith.constant 128 : i32
    %add3A_5 = vector.broadcast %add3A_4 : i32 to vector<16xi32>
    %add3A_6 = arith.addi %iota3A, %add3A_5 : vector<16xi32>
    %mul3A_7 = arith.constant 128 : i32
    %mul3A_8 = vector.broadcast %mul3A_7 : i32 to vector<16xi32>
    %mul3A_9 = arith.muli %add3A_6, %mul3A_8 : vector<16xi32>
    %swap3A = arith.constant 0 : index
    %swap3A_10 = tpu.vector_load %arg7[%swap3A] {strides = array<i32>} : memref<128xi32, #tpu.memory_space<vmem>>, vector<16xi32>,
    tpu.vector_store %arg7[%swap3A], %mul3A_3 {strides = array<i32>} : memref<128xi32, #tpu.memory_space<vmem>>, vector<16xi32>,
    %swap3A_11 = arith.constant 0 : index
    %swap3A_12 = tpu.vector_load %arg8[%swap3A_11] {strides = array<i32>} : memref<128xi32, #tpu.memory_space<vmem>>, vector<16xi32>,
    tpu.vector_store %arg8[%swap3A_11], %mul3A_9 {strides = array<i32>} : memref<128xi32, #tpu.memory_space<vmem>>, vector<16xi32>,
    %add3A_13 = arith.constant 127 : i32
    %add3A_14 = vector.broadcast %add3A_13 : i32 to vector<16xi32>
    %add3A_15 = arith.addi %mul3A_3, %add3A_14 : vector<16xi32>
    %swap3A_16 = arith.constant 0 : index
    %swap3A_17 = tpu.vector_load %arg9[%swap3A_16] {strides = array<i32>} : memref<128xi32, #tpu.memory_space<vmem>>, vector<16xi32>,
    tpu.vector_store %arg9[%swap3A_16], %add3A_15 {strides = array<i32>} : memref<128xi32, #tpu.memory_space<vmem>>, vector<16xi32>,
    %add3A_18 = arith.constant 127 : i32
    %add3A_19 = vector.broadcast %add3A_18 : i32 to vector<16xi32>
    %add3A_20 = arith.addi %mul3A_9, %add3A_19 : vector<16xi32>
    %swap3A_21 = arith.constant 0 : index
    %swap3A_22 = tpu.vector_load %arg10[%swap3A_21] {strides = array<i32>} : memref<128xi32, #tpu.memory_space<vmem>>, vector<16xi32>,
    tpu.vector_store %arg10[%swap3A_21], %add3A_20 {strides = array<i32>} : memref<128xi32, #tpu.memory_space<vmem>>, vector<16xi32>,
    %add3A_23 = arith.constant 16 : i32
    %add3A_24 = vector.broadcast %add3A_23 : i32 to vector<16xi32>
    %add3A_25 = arith.addi %iota3A, %add3A_24 : vector<16xi32>
    %mul3A_26 = arith.constant 128 : i32
    %mul3A_27 = vector.broadcast %mul3A_26 : i32 to vector<16xi32>
    %mul3A_28 = arith.muli %add3A_25, %mul3A_27 : vector<16xi32>
    %add3A_29 = arith.constant 144 : i32
    %add3A_30 = vector.broadcast %add3A_29 : i32 to vector<16xi32>
    %add3A_31 = arith.addi %iota3A, %add3A_30 : vector<16xi32>
    %mul3A_32 = arith.constant 128 : i32
    %mul3A_33 = vector.broadcast %mul3A_32 : i32 to vector<16xi32>
    %mul3A_34 = arith.muli %add3A_31, %mul3A_33 : vector<16xi32>
    %swap3A_35 = arith.constant 16 : index
    %swap3A_36 = tpu.vector_load %arg7[%swap3A_35] {strides = array<i32>} : memref<128xi32, #tpu.memory_space<vmem>>, vector<16xi32>,
    tpu.vector_store %arg7[%swap3A_35], %mul3A_28 {strides = array<i32>} : memref<128xi32, #tpu.memory_space<vmem>>, vector<16xi32>,
    %swap3A_37 = arith.constant 16 : index
    %swap3A_38 = tpu.vector_load %arg8[%swap3A_37] {strides = array<i32>} : memref<128xi32, #tpu.memory_space<vmem>>, vector<16xi32>,
    tpu.vector_store %arg8[%swap3A_37], %mul3A_34 {strides = array<i32>} : memref<128xi32, #tpu.memory_space<vmem>>, vector<16xi32>,
    %add3A_39 = arith.constant 127 : i32
    %add3A_40 = vector.broadcast %add3A_39 : i32 to vector<16xi32>
    %add3A_41 = arith.addi %mul3A_28, %add3A_40 : vector<16xi32>
    %swap3A_42 = arith.constant 16 : index
    %swap3A_43 = tpu.vector_load %arg9[%swap3A_42] {strides = array<i32>} : memref<128xi32, #tpu.memory_space<vmem>>, vector<16xi32>,
    tpu.vector_store %arg9[%swap3A_42], %add3A_41 {strides = array<i32>} : memref<128xi32, #tpu.memory_space<vmem>>, vector<16xi32>,
    %add3A_44 = arith.constant 127 : i32
    %add3A_45 = vector.broadcast %add3A_44 : i32 to vector<16xi32>
    %add3A_46 = arith.addi %mul3A_34, %add3A_45 : vector<16xi32>
    %swap3A_47 = arith.constant 16 : index
    %swap3A_48 = tpu.vector_load %arg10[%swap3A_47] {strides = array<i32>} : memref<128xi32, #tpu.memory_space<vmem>>, vector<16xi32>,
    tpu.vector_store %arg10[%swap3A_47], %add3A_46 {strides = array<i32>} : memref<128xi32, #tpu.memory_space<vmem>>, vector<16xi32>,
    %add3A_49 = arith.constant 32 : i32
    %add3A_50 = vector.broadcast %add3A_49 : i32 to vector<16xi32>
    %add3A_51 = arith.addi %iota3A, %add3A_50 : vector<16xi32>
    %mul3A_52 = arith.constant 128 : i32
    %mul3A_53 = vector.broadcast %mul3A_52 : i32 to vector<16xi32>
    %mul3A_54 = arith.muli %add3A_51, %mul3A_53 : vector<16xi32>
    %add3A_55 = arith.constant 160 : i32
    %add3A_56 = vector.broadcast %add3A_55 : i32 to vector<16xi32>
    %add3A_57 = arith.addi %iota3A, %add3A_56 : vector<16xi32>
    %mul3A_58 = arith.constant 128 : i32
    %mul3A_59 = vector.broadcast %mul3A_58 : i32 to vector<16xi32>
    %mul3A_60 = arith.muli %add3A_57, %mul3A_59 : vector<16xi32>
    %swap3A_61 = arith.constant 32 : index
    %swap3A_62 = tpu.vector_load %arg7[%swap3A_61] {strides = array<i32>} : memref<128xi32, #tpu.memory_space<vmem>>, vector<16xi32>,
    tpu.vector_store %arg7[%swap3A_61], %mul3A_54 {strides = array<i32>} : memref<128xi32, #tpu.memory_space<vmem>>, vector<16xi32>,
    %swap3A_63 = arith.constant 32 : index
    %swap3A_64 = tpu.vector_load %arg8[%swap3A_63] {strides = array<i32>} : memref<128xi32, #tpu.memory_space<vmem>>, vector<16xi32>,
    tpu.vector_store %arg8[%swap3A_63], %mul3A_60 {strides = array<i32>} : memref<128xi32, #tpu.memory_space<vmem>>, vector<16xi32>,
    %add3A_65 = arith.constant 127 : i32
    %add3A_66 = vector.broadcast %add3A_65 : i32 to vector<16xi32>
    %add3A_67 = arith.addi %mul3A_54, %add3A_66 : vector<16xi32>
    %swap3A_68 = arith.constant 32 : index
    %swap3A_69 = tpu.vector_load %arg9[%swap3A_68] {strides = array<i32>} : memref<128xi32, #tpu.memory_space<vmem>>, vector<16xi32>,
    tpu.vector_store %arg9[%swap3A_68], %add3A_67 {strides = array<i32>} : memref<128xi32, #tpu.memory_space<vmem>>, vector<16xi32>,
    %add3A_70 = arith.constant 127 : i32
    %add3A_71 = vector.broadcast %add3A_70 : i32 to vector<16xi32>
    %add3A_72 = arith.addi %mul3A_60, %add3A_71 : vector<16xi32>
    %swap3A_73 = arith.constant 32 : index
    %swap3A_74 = tpu.vector_load %arg10[%swap3A_73] {strides = array<i32>} : memref<128xi32, #tpu.memory_space<vmem>>, vector<16xi32>,
    tpu.vector_store %arg10[%swap3A_73], %add3A_72 {strides = array<i32>} : memref<128xi32, #tpu.memory_space<vmem>>, vector<16xi32>,
    %add3A_75 = arith.constant 48 : i32
    %add3A_76 = vector.broadcast %add3A_75 : i32 to vector<16xi32>
    %add3A_77 = arith.addi %iota3A, %add3A_76 : vector<16xi32>
    %mul3A_78 = arith.constant 128 : i32
    %mul3A_79 = vector.broadcast %mul3A_78 : i32 to vector<16xi32>
    %mul3A_80 = arith.muli %add3A_77, %mul3A_79 : vector<16xi32>
    %add3A_81 = arith.constant 176 : i32
    %add3A_82 = vector.broadcast %add3A_81 : i32 to vector<16xi32>
    %add3A_83 = arith.addi %iota3A, %add3A_82 : vector<16xi32>
    %mul3A_84 = arith.constant 128 : i32
    %mul3A_85 = vector.broadcast %mul3A_84 : i32 to vector<16xi32>
    %mul3A_86 = arith.muli %add3A_83, %mul3A_85 : vector<16xi32>
    %swap3A_87 = arith.constant 48 : index
    %swap3A_88 = tpu.vector_load %arg7[%swap3A_87] {strides = array<i32>} : memref<128xi32, #tpu.memory_space<vmem>>, vector<16xi32>,
    tpu.vector_store %arg7[%swap3A_87], %mul3A_80 {strides = array<i32>} : memref<128xi32, #tpu.memory_space<vmem>>, vector<16xi32>,
    %swap3A_89 = arith.constant 48 : index
    %swap3A_90 = tpu.vector_load %arg8[%swap3A_89] {strides = array<i32>} : memref<128xi32, #tpu.memory_space<vmem>>, vector<16xi32>,
    tpu.vector_store %arg8[%swap3A_89], %mul3A_86 {strides = array<i32>} : memref<128xi32, #tpu.memory_space<vmem>>, vector<16xi32>,
    %add3A_91 = arith.constant 127 : i32
    %add3A_92 = vector.broadcast %add3A_91 : i32 to vector<16xi32>
    %add3A_93 = arith.addi %mul3A_80, %add3A_92 : vector<16xi32>
    %swap3A_94 = arith.constant 48 : index
    %swap3A_95 = tpu.vector_load %arg9[%swap3A_94] {strides = array<i32>} : memref<128xi32, #tpu.memory_space<vmem>>, vector<16xi32>,
    tpu.vector_store %arg9[%swap3A_94], %add3A_93 {strides = array<i32>} : memref<128xi32, #tpu.memory_space<vmem>>, vector<16xi32>,
    %add3A_96 = arith.constant 127 : i32
    %add3A_97 = vector.broadcast %add3A_96 : i32 to vector<16xi32>
    %add3A_98 = arith.addi %mul3A_86, %add3A_97 : vector<16xi32>
    %swap3A_99 = arith.constant 48 : index
    %swap3A_100 = tpu.vector_load %arg10[%swap3A_99] {strides = array<i32>} : memref<128xi32, #tpu.memory_space<vmem>>, vector<16xi32>,
    tpu.vector_store %arg10[%swap3A_99], %add3A_98 {strides = array<i32>} : memref<128xi32, #tpu.memory_space<vmem>>, vector<16xi32>,
    %add3A_101 = arith.constant 64 : i32
    %add3A_102 = vector.broadcast %add3A_101 : i32 to vector<16xi32>
    %add3A_103 = arith.addi %iota3A, %add3A_102 : vector<16xi32>
    %mul3A_104 = arith.constant 128 : i32
    %mul3A_105 = vector.broadcast %mul3A_104 : i32 to vector<16xi32>
    %mul3A_106 = arith.muli %add3A_103, %mul3A_105 : vector<16xi32>
    %add3A_107 = arith.constant 192 : i32
    %add3A_108 = vector.broadcast %add3A_107 : i32 to vector<16xi32>
    %add3A_109 = arith.addi %iota3A, %add3A_108 : vector<16xi32>
    %mul3A_110 = arith.constant 128 : i32
    %mul3A_111 = vector.broadcast %mul3A_110 : i32 to vector<16xi32>
    %mul3A_112 = arith.muli %add3A_109, %mul3A_111 : vector<16xi32>
    %swap3A_113 = arith.constant 64 : index
    %swap3A_114 = tpu.vector_load %arg7[%swap3A_113] {strides = array<i32>} : memref<128xi32, #tpu.memory_space<vmem>>, vector<16xi32>,
    tpu.vector_store %arg7[%swap3A_113], %mul3A_106 {strides = array<i32>} : memref<128xi32, #tpu.memory_space<vmem>>, vector<16xi32>,
    %swap3A_115 = arith.constant 64 : index
    %swap3A_116 = tpu.vector_load %arg8[%swap3A_115] {strides = array<i32>} : memref<128xi32, #tpu.memory_space<vmem>>, vector<16xi32>,
    tpu.vector_store %arg8[%swap3A_115], %mul3A_112 {strides = array<i32>} : memref<128xi32, #tpu.memory_space<vmem>>, vector<16xi32>,
    %add3A_117 = arith.constant 127 : i32
    %add3A_118 = vector.broadcast %add3A_117 : i32 to vector<16xi32>
    %add3A_119 = arith.addi %mul3A_106, %add3A_118 : vector<16xi32>
    %swap3A_120 = arith.constant 64 : index
    %swap3A_121 = tpu.vector_load %arg9[%swap3A_120] {strides = array<i32>} : memref<128xi32, #tpu.memory_space<vmem>>, vector<16xi32>,
    tpu.vector_store %arg9[%swap3A_120], %add3A_119 {strides = array<i32>} : memref<128xi32, #tpu.memory_space<vmem>>, vector<16xi32>,
    %add3A_122 = arith.constant 127 : i32
    %add3A_123 = vector.broadcast %add3A_122 : i32 to vector<16xi32>
    %add3A_124 = arith.addi %mul3A_112, %add3A_123 : vector<16xi32>
    %swap3A_125 = arith.constant 64 : index
    %swap3A_126 = tpu.vector_load %arg10[%swap3A_125] {strides = array<i32>} : memref<128xi32, #tpu.memory_space<vmem>>, vector<16xi32>,
    tpu.vector_store %arg10[%swap3A_125], %add3A_124 {strides = array<i32>} : memref<128xi32, #tpu.memory_space<vmem>>, vector<16xi32>,
    %add3A_127 = arith.constant 80 : i32
    %add3A_128 = vector.broadcast %add3A_127 : i32 to vector<16xi32>
    %add3A_129 = arith.addi %iota3A, %add3A_128 : vector<16xi32>
    %mul3A_130 = arith.constant 128 : i32
    %mul3A_131 = vector.broadcast %mul3A_130 : i32 to vector<16xi32>
    %mul3A_132 = arith.muli %add3A_129, %mul3A_131 : vector<16xi32>
    %add3A_133 = arith.constant 208 : i32
    %add3A_134 = vector.broadcast %add3A_133 : i32 to vector<16xi32>
    %add3A_135 = arith.addi %iota3A, %add3A_134 : vector<16xi32>
    %mul3A_136 = arith.constant 128 : i32
    %mul3A_137 = vector.broadcast %mul3A_136 : i32 to vector<16xi32>
    %mul3A_138 = arith.muli %add3A_135, %mul3A_137 : vector<16xi32>
    %swap3A_139 = arith.constant 80 : index
    %swap3A_140 = tpu.vector_load %arg7[%swap3A_139] {strides = array<i32>} : memref<128xi32, #tpu.memory_space<vmem>>, vector<16xi32>,
    tpu.vector_store %arg7[%swap3A_139], %mul3A_132 {strides = array<i32>} : memref<128xi32, #tpu.memory_space<vmem>>, vector<16xi32>,
    %swap3A_141 = arith.constant 80 : index
    %swap3A_142 = tpu.vector_load %arg8[%swap3A_141] {strides = array<i32>} : memref<128xi32, #tpu.memory_space<vmem>>, vector<16xi32>,
    tpu.vector_store %arg8[%swap3A_141], %mul3A_138 {strides = array<i32>} : memref<128xi32, #tpu.memory_space<vmem>>, vector<16xi32>,
    %add3A_143 = arith.constant 127 : i32
    %add3A_144 = vector.broadcast %add3A_143 : i32 to vector<16xi32>
    %add3A_145 = arith.addi %mul3A_132, %add3A_144 : vector<16xi32>
    %swap3A_146 = arith.constant 80 : index
    %swap3A_147 = tpu.vector_load %arg9[%swap3A_146] {strides = array<i32>} : memref<128xi32, #tpu.memory_space<vmem>>, vector<16xi32>,
    tpu.vector_store %arg9[%swap3A_146], %add3A_145 {strides = array<i32>} : memref<128xi32, #tpu.memory_space<vmem>>, vector<16xi32>,
    %add3A_148 = arith.constant 127 : i32
    %add3A_149 = vector.broadcast %add3A_148 : i32 to vector<16xi32>
    %add3A_150 = arith.addi %mul3A_138, %add3A_149 : vector<16xi32>
    %swap3A_151 = arith.constant 80 : index
    %swap3A_152 = tpu.vector_load %arg10[%swap3A_151] {strides = array<i32>} : memref<128xi32, #tpu.memory_space<vmem>>, vector<16xi32>,
    tpu.vector_store %arg10[%swap3A_151], %add3A_150 {strides = array<i32>} : memref<128xi32, #tpu.memory_space<vmem>>, vector<16xi32>,
    %add3A_153 = arith.constant 96 : i32
    %add3A_154 = vector.broadcast %add3A_153 : i32 to vector<16xi32>
    %add3A_155 = arith.addi %iota3A, %add3A_154 : vector<16xi32>
    %mul3A_156 = arith.constant 128 : i32
    %mul3A_157 = vector.broadcast %mul3A_156 : i32 to vector<16xi32>
    %mul3A_158 = arith.muli %add3A_155, %mul3A_157 : vector<16xi32>
    %add3A_159 = arith.constant 224 : i32
    %add3A_160 = vector.broadcast %add3A_159 : i32 to vector<16xi32>
    %add3A_161 = arith.addi %iota3A, %add3A_160 : vector<16xi32>
    %mul3A_162 = arith.constant 128 : i32
    %mul3A_163 = vector.broadcast %mul3A_162 : i32 to vector<16xi32>
    %mul3A_164 = arith.muli %add3A_161, %mul3A_163 : vector<16xi32>
    %swap3A_165 = arith.constant 96 : index
    %swap3A_166 = tpu.vector_load %arg7[%swap3A_165] {strides = array<i32>} : memref<128xi32, #tpu.memory_space<vmem>>, vector<16xi32>,
    tpu.vector_store %arg7[%swap3A_165], %mul3A_158 {strides = array<i32>} : memref<128xi32, #tpu.memory_space<vmem>>, vector<16xi32>,
    %swap3A_167 = arith.constant 96 : index
    %swap3A_168 = tpu.vector_load %arg8[%swap3A_167] {strides = array<i32>} : memref<128xi32, #tpu.memory_space<vmem>>, vector<16xi32>,
    tpu.vector_store %arg8[%swap3A_167], %mul3A_164 {strides = array<i32>} : memref<128xi32, #tpu.memory_space<vmem>>, vector<16xi32>,
    %add3A_169 = arith.constant 127 : i32
    %add3A_170 = vector.broadcast %add3A_169 : i32 to vector<16xi32>
    %add3A_171 = arith.addi %mul3A_158, %add3A_170 : vector<16xi32>
    %swap3A_172 = arith.constant 96 : index
    %swap3A_173 = tpu.vector_load %arg9[%swap3A_172] {strides = array<i32>} : memref<128xi32, #tpu.memory_space<vmem>>, vector<16xi32>,
    tpu.vector_store %arg9[%swap3A_172], %add3A_171 {strides = array<i32>} : memref<128xi32, #tpu.memory_space<vmem>>, vector<16xi32>,
    %add3A_174 = arith.constant 127 : i32
    %add3A_175 = vector.broadcast %add3A_174 : i32 to vector<16xi32>
    %add3A_176 = arith.addi %mul3A_164, %add3A_175 : vector<16xi32>
    %swap3A_177 = arith.constant 96 : index
    %swap3A_178 = tpu.vector_load %arg10[%swap3A_177] {strides = array<i32>} : memref<128xi32, #tpu.memory_space<vmem>>, vector<16xi32>,
    tpu.vector_store %arg10[%swap3A_177], %add3A_176 {strides = array<i32>} : memref<128xi32, #tpu.memory_space<vmem>>, vector<16xi32>,
    %add3A_179 = arith.constant 112 : i32
    %add3A_180 = vector.broadcast %add3A_179 : i32 to vector<16xi32>
    %add3A_181 = arith.addi %iota3A, %add3A_180 : vector<16xi32>
    %mul3A_182 = arith.constant 128 : i32
    %mul3A_183 = vector.broadcast %mul3A_182 : i32 to vector<16xi32>
    %mul3A_184 = arith.muli %add3A_181, %mul3A_183 : vector<16xi32>
    %add3A_185 = arith.constant 240 : i32
    %add3A_186 = vector.broadcast %add3A_185 : i32 to vector<16xi32>
    %add3A_187 = arith.addi %iota3A, %add3A_186 : vector<16xi32>
    %mul3A_188 = arith.constant 128 : i32
    %mul3A_189 = vector.broadcast %mul3A_188 : i32 to vector<16xi32>
    %mul3A_190 = arith.muli %add3A_187, %mul3A_189 : vector<16xi32>
    %swap3A_191 = arith.constant 112 : index
    %swap3A_192 = tpu.vector_load %arg7[%swap3A_191] {strides = array<i32>} : memref<128xi32, #tpu.memory_space<vmem>>, vector<16xi32>,
    tpu.vector_store %arg7[%swap3A_191], %mul3A_184 {strides = array<i32>} : memref<128xi32, #tpu.memory_space<vmem>>, vector<16xi32>,
    %swap3A_193 = arith.constant 112 : index
    %swap3A_194 = tpu.vector_load %arg8[%swap3A_193] {strides = array<i32>} : memref<128xi32, #tpu.memory_space<vmem>>, vector<16xi32>,
    tpu.vector_store %arg8[%swap3A_193], %mul3A_190 {strides = array<i32>} : memref<128xi32, #tpu.memory_space<vmem>>, vector<16xi32>,
    %add3A_195 = arith.constant 127 : i32
    %add3A_196 = vector.broadcast %add3A_195 : i32 to vector<16xi32>
    %add3A_197 = arith.addi %mul3A_184, %add3A_196 : vector<16xi32>
    %swap3A_198 = arith.constant 112 : index
    %swap3A_199 = tpu.vector_load %arg9[%swap3A_198] {strides = array<i32>} : memref<128xi32, #tpu.memory_space<vmem>>, vector<16xi32>,
    tpu.vector_store %arg9[%swap3A_198], %add3A_197 {strides = array<i32>} : memref<128xi32, #tpu.memory_space<vmem>>, vector<16xi32>,
    %add3A_200 = arith.constant 127 : i32
    %add3A_201 = vector.broadcast %add3A_200 : i32 to vector<16xi32>
    %add3A_202 = arith.addi %mul3A_190, %add3A_201 : vector<16xi32>
    %swap3A_203 = arith.constant 112 : index
    %swap3A_204 = tpu.vector_load %arg10[%swap3A_203] {strides = array<i32>} : memref<128xi32, #tpu.memory_space<vmem>>, vector<16xi32>,
    tpu.vector_store %arg10[%swap3A_203], %add3A_202 {strides = array<i32>} : memref<128xi32, #tpu.memory_space<vmem>>, vector<16xi32>,
    %dma_start3A = arith.constant 0 : i32
    %dma_start3A_205 = tpu.memref_slice %arg11[%dma_start3A] : memref<256xi32, #tpu.memory_space<vmem>> -> memref<128xi32, #tpu.memory_space<vmem>>
    %dma_start3A_206 = arith.constant 0 : i32
    %dma_start3A_207 = tpu.memref_slice %arg2[%dma_start3A_206] : memref<32768xi32, #tpu.memory_space<hbm>> -> memref<32768xi32, #tpu.memory_space<hbm>>
    tpu.enqueue_indirect_dma source(%dma_start3A_207 : memref<32768xi32, #tpu.memory_space<hbm>>) target(%dma_start3A_205 : memref<128xi32, #tpu.memory_space<vmem>>) offsets(%arg7 : memref<128xi32, #tpu.memory_space<vmem>>) semaphore(%arg17 : memref<!tpu.dma_semaphore, #tpu.memory_space<semaphore_mem>>)
    %dma_start3A_208 = arith.constant 128 : i32
    %dma_start3A_209 = tpu.memref_slice %arg11[%dma_start3A_208] : memref<256xi32, #tpu.memory_space<vmem>> -> memref<128xi32, #tpu.memory_space<vmem>>
    %dma_start3A_210 = arith.constant 0 : i32
    %dma_start3A_211 = tpu.memref_slice %arg2[%dma_start3A_210] : memref<32768xi32, #tpu.memory_space<hbm>> -> memref<32768xi32, #tpu.memory_space<hbm>>
    tpu.enqueue_indirect_dma source(%dma_start3A_211 : memref<32768xi32, #tpu.memory_space<hbm>>) target(%dma_start3A_209 : memref<128xi32, #tpu.memory_space<vmem>>) offsets(%arg8 : memref<128xi32, #tpu.memory_space<vmem>>) semaphore(%arg17 : memref<!tpu.dma_semaphore, #tpu.memory_space<semaphore_mem>>)
    %dma_start3A_212 = arith.constant 0 : i32
    %dma_start3A_213 = tpu.memref_slice %arg12[%dma_start3A_212] : memref<256xi32, #tpu.memory_space<vmem>> -> memref<128xi32, #tpu.memory_space<vmem>>
    %dma_start3A_214 = arith.constant 0 : i32
    %dma_start3A_215 = tpu.memref_slice %arg2[%dma_start3A_214] : memref<32768xi32, #tpu.memory_space<hbm>> -> memref<32768xi32, #tpu.memory_space<hbm>>
    tpu.enqueue_indirect_dma source(%dma_start3A_215 : memref<32768xi32, #tpu.memory_space<hbm>>) target(%dma_start3A_213 : memref<128xi32, #tpu.memory_space<vmem>>) offsets(%arg9 : memref<128xi32, #tpu.memory_space<vmem>>) semaphore(%arg17 : memref<!tpu.dma_semaphore, #tpu.memory_space<semaphore_mem>>)
    %dma_start3A_216 = arith.constant 128 : i32
    %dma_start3A_217 = tpu.memref_slice %arg12[%dma_start3A_216] : memref<256xi32, #tpu.memory_space<vmem>> -> memref<128xi32, #tpu.memory_space<vmem>>
    %dma_start3A_218 = arith.constant 0 : i32
    %dma_start3A_219 = tpu.memref_slice %arg2[%dma_start3A_218] : memref<32768xi32, #tpu.memory_space<hbm>> -> memref<32768xi32, #tpu.memory_space<hbm>>
    tpu.enqueue_indirect_dma source(%dma_start3A_219 : memref<32768xi32, #tpu.memory_space<hbm>>) target(%dma_start3A_217 : memref<128xi32, #tpu.memory_space<vmem>>) offsets(%arg10 : memref<128xi32, #tpu.memory_space<vmem>>) semaphore(%arg17 : memref<!tpu.dma_semaphore, #tpu.memory_space<semaphore_mem>>)
    %dma_wait3A = arith.constant 0 : i32
    %dma_wait3A_220 = tpu.memref_slice %arg11[%dma_wait3A] : memref<256xi32, #tpu.memory_space<vmem>> -> memref<128xi32, #tpu.memory_space<vmem>>
    %dma_wait3A_221 = arith.constant 0 : i32
    %dma_wait3A_222 = tpu.memref_slice %arg2[%dma_wait3A_221] : memref<32768xi32, #tpu.memory_space<hbm>> -> memref<32768xi32, #tpu.memory_space<hbm>>
    tpu.wait_indirect_dma semaphore(%arg17 : memref<!tpu.dma_semaphore, #tpu.memory_space<semaphore_mem>>) src(%dma_wait3A_222 : memref<32768xi32, #tpu.memory_space<hbm>>) dst(%dma_wait3A_220 : memref<128xi32, #tpu.memory_space<vmem>>)
    %dma_wait3A_223 = arith.constant 128 : i32
    %dma_wait3A_224 = tpu.memref_slice %arg11[%dma_wait3A_223] : memref<256xi32, #tpu.memory_space<vmem>> -> memref<128xi32, #tpu.memory_space<vmem>>
    %dma_wait3A_225 = arith.constant 0 : i32
    %dma_wait3A_226 = tpu.memref_slice %arg2[%dma_wait3A_225] : memref<32768xi32, #tpu.memory_space<hbm>> -> memref<32768xi32, #tpu.memory_space<hbm>>
    tpu.wait_indirect_dma semaphore(%arg17 : memref<!tpu.dma_semaphore, #tpu.memory_space<semaphore_mem>>) src(%dma_wait3A_226 : memref<32768xi32, #tpu.memory_space<hbm>>) dst(%dma_wait3A_224 : memref<128xi32, #tpu.memory_space<vmem>>)
    %dma_wait3A_227 = arith.constant 0 : i32
    %dma_wait3A_228 = tpu.memref_slice %arg12[%dma_wait3A_227] : memref<256xi32, #tpu.memory_space<vmem>> -> memref<128xi32, #tpu.memory_space<vmem>>
    %dma_wait3A_229 = arith.constant 0 : i32
    %dma_wait3A_230 = tpu.memref_slice %arg2[%dma_wait3A_229] : memref<32768xi32, #tpu.memory_space<hbm>> -> memref<32768xi32, #tpu.memory_space<hbm>>
    tpu.wait_indirect_dma semaphore(%arg17 : memref<!tpu.dma_semaphore, #tpu.memory_space<semaphore_mem>>) src(%dma_wait3A_230 : memref<32768xi32, #tpu.memory_space<hbm>>) dst(%dma_wait3A_228 : memref<128xi32, #tpu.memory_space<vmem>>)
    %dma_wait3A_231 = arith.constant 128 : i32
    %dma_wait3A_232 = tpu.memref_slice %arg12[%dma_wait3A_231] : memref<256xi32, #tpu.memory_space<vmem>> -> memref<128xi32, #tpu.memory_space<vmem>>
    %dma_wait3A_233 = arith.constant 0 : i32
    %dma_wait3A_234 = tpu.memref_slice %arg2[%dma_wait3A_233] : memref<32768xi32, #tpu.memory_space<hbm>> -> memref<32768xi32, #tpu.memory_space<hbm>>
    tpu.wait_indirect_dma semaphore(%arg17 : memref<!tpu.dma_semaphore, #tpu.memory_space<semaphore_mem>>) src(%dma_wait3A_234 : memref<32768xi32, #tpu.memory_space<hbm>>) dst(%dma_wait3A_232 : memref<128xi32, #tpu.memory_space<vmem>>)
    %mul3A_235 = arith.constant 16 : i32
    %mul3A_236 = arith.muli %arg1, %mul3A_235 : i32
    %add3A_237 = vector.broadcast %mul3A_236 : i32 to vector<16xi32>
    %add3A_238 = arith.addi %add3A_237, %iota3A : vector<16xi32>
    %gather3A = tpu.vector_load_idx %arg12[%add3A_238] : memref<256xi32, #tpu.memory_space<vmem>>[vector<16xi32>], vector<16xi32>,
    %gather3A_239 = tpu.vector_load_idx %arg11[%add3A_238] : memref<256xi32, #tpu.memory_space<vmem>>[vector<16xi32>], vector<16xi32>,
    %broadcast_in_dim3A = arith.constant 0 : i32
    %broadcast_in_dim3A_240 = vector.broadcast %broadcast_in_dim3A : i32 to vector<16xi32>
    %broadcast_in_dim3A_241 = arith.constant 256 : i32
    %broadcast_in_dim3A_242 = vector.broadcast %broadcast_in_dim3A_241 : i32 to vector<16xi32>
    %broadcast_in_dim3A_243 = arith.constant 0 : i32
    %broadcast_in_dim3A_244 = vector.broadcast %broadcast_in_dim3A_243 : i32 to vector<16xi32>
    %broadcast_in_dim3A_245 = arith.constant 256 : i32
    %broadcast_in_dim3A_246 = vector.broadcast %broadcast_in_dim3A_245 : i32 to vector<16xi32>
    %add3A_247 = arith.addi %broadcast_in_dim3A_240, %broadcast_in_dim3A_242 : vector<16xi32>
    %shift_right_arithmetic3A = arith.constant 1 : i32
    %shift_right_arithmetic3A_248 = vector.broadcast %shift_right_arithmetic3A : i32 to vector<16xi32>
    %shift_right_arithmetic3A_249 = arith.shrsi %add3A_247, %shift_right_arithmetic3A_248 : vector<16xi32>
    %gather3A_250 = tpu.vector_load_idx %arg11[%shift_right_arithmetic3A_249] : memref<256xi32, #tpu.memory_space<vmem>>[vector<16xi32>], vector<16xi32>,
    %le3A = arith.cmpi sle, %gather3A_250, %gather3A : vector<16xi32>
    %add3A_251 = arith.constant 1 : i32
    %add3A_252 = vector.broadcast %add3A_251 : i32 to vector<16xi32>
    %add3A_253 = arith.addi %shift_right_arithmetic3A_249, %add3A_252 : vector<16xi32>
    %select_n3A = arith.select %le3A, %add3A_253, %broadcast_in_dim3A_240 : vector<16xi1>, vector<16xi32>
    %select_n3A_254 = arith.select %le3A, %broadcast_in_dim3A_242, %shift_right_arithmetic3A_249 : vector<16xi1>, vector<16xi32>
    %add3A_255 = arith.addi %broadcast_in_dim3A_244, %broadcast_in_dim3A_246 : vector<16xi32>
    %shift_right_arithmetic3A_256 = arith.constant 1 : i32
    %shift_right_arithmetic3A_257 = vector.broadcast %shift_right_arithmetic3A_256 : i32 to vector<16xi32>
    %shift_right_arithmetic3A_258 = arith.shrsi %add3A_255, %shift_right_arithmetic3A_257 : vector<16xi32>
    %gather3A_259 = tpu.vector_load_idx %arg12[%shift_right_arithmetic3A_258] : memref<256xi32, #tpu.memory_space<vmem>>[vector<16xi32>], vector<16xi32>,
    %lt3A = arith.cmpi slt, %gather3A_259, %gather3A_239 : vector<16xi32>
    %add3A_260 = arith.constant 1 : i32
    %add3A_261 = vector.broadcast %add3A_260 : i32 to vector<16xi32>
    %add3A_262 = arith.addi %shift_right_arithmetic3A_258, %add3A_261 : vector<16xi32>
    %select_n3A_263 = arith.select %lt3A, %add3A_262, %broadcast_in_dim3A_244 : vector<16xi1>, vector<16xi32>
    %select_n3A_264 = arith.select %lt3A, %broadcast_in_dim3A_246, %shift_right_arithmetic3A_258 : vector<16xi1>, vector<16xi32>
    %add3A_265 = arith.addi %select_n3A, %select_n3A_254 : vector<16xi32>
    %shift_right_arithmetic3A_266 = arith.constant 1 : i32
    %shift_right_arithmetic3A_267 = vector.broadcast %shift_right_arithmetic3A_266 : i32 to vector<16xi32>
    %shift_right_arithmetic3A_268 = arith.shrsi %add3A_265, %shift_right_arithmetic3A_267 : vector<16xi32>
    %gather3A_269 = tpu.vector_load_idx %arg11[%shift_right_arithmetic3A_268] : memref<256xi32, #tpu.memory_space<vmem>>[vector<16xi32>], vector<16xi32>,
    %le3A_270 = arith.cmpi sle, %gather3A_269, %gather3A : vector<16xi32>
    %add3A_271 = arith.constant 1 : i32
    %add3A_272 = vector.broadcast %add3A_271 : i32 to vector<16xi32>
    %add3A_273 = arith.addi %shift_right_arithmetic3A_268, %add3A_272 : vector<16xi32>
    %select_n3A_274 = arith.select %le3A_270, %add3A_273, %select_n3A : vector<16xi1>, vector<16xi32>
    %select_n3A_275 = arith.select %le3A_270, %select_n3A_254, %shift_right_arithmetic3A_268 : vector<16xi1>, vector<16xi32>
    %add3A_276 = arith.addi %select_n3A_263, %select_n3A_264 : vector<16xi32>
    %shift_right_arithmetic3A_277 = arith.constant 1 : i32
    %shift_right_arithmetic3A_278 = vector.broadcast %shift_right_arithmetic3A_277 : i32 to vector<16xi32>
    %shift_right_arithmetic3A_279 = arith.shrsi %add3A_276, %shift_right_arithmetic3A_278 : vector<16xi32>
    %gather3A_280 = tpu.vector_load_idx %arg12[%shift_right_arithmetic3A_279] : memref<256xi32, #tpu.memory_space<vmem>>[vector<16xi32>], vector<16xi32>,
    %lt3A_281 = arith.cmpi slt, %gather3A_280, %gather3A_239 : vector<16xi32>
    %add3A_282 = arith.constant 1 : i32
    %add3A_283 = vector.broadcast %add3A_282 : i32 to vector<16xi32>
    %add3A_284 = arith.addi %shift_right_arithmetic3A_279, %add3A_283 : vector<16xi32>
    %select_n3A_285 = arith.select %lt3A_281, %add3A_284, %select_n3A_263 : vector<16xi1>, vector<16xi32>
    %select_n3A_286 = arith.select %lt3A_281, %select_n3A_264, %shift_right_arithmetic3A_279 : vector<16xi1>, vector<16xi32>
    %add3A_287 = arith.addi %select_n3A_274, %select_n3A_275 : vector<16xi32>
    %shift_right_arithmetic3A_288 = arith.constant 1 : i32
    %shift_right_arithmetic3A_289 = vector.broadcast %shift_right_arithmetic3A_288 : i32 to vector<16xi32>
    %shift_right_arithmetic3A_290 = arith.shrsi %add3A_287, %shift_right_arithmetic3A_289 : vector<16xi32>
    %gather3A_291 = tpu.vector_load_idx %arg11[%shift_right_arithmetic3A_290] : memref<256xi32, #tpu.memory_space<vmem>>[vector<16xi32>], vector<16xi32>,
    %le3A_292 = arith.cmpi sle, %gather3A_291, %gather3A : vector<16xi32>
    %add3A_293 = arith.constant 1 : i32
    %add3A_294 = vector.broadcast %add3A_293 : i32 to vector<16xi32>
    %add3A_295 = arith.addi %shift_right_arithmetic3A_290, %add3A_294 : vector<16xi32>
    %select_n3A_296 = arith.select %le3A_292, %add3A_295, %select_n3A_274 : vector<16xi1>, vector<16xi32>
    %select_n3A_297 = arith.select %le3A_292, %select_n3A_275, %shift_right_arithmetic3A_290 : vector<16xi1>, vector<16xi32>
    %add3A_298 = arith.addi %select_n3A_285, %select_n3A_286 : vector<16xi32>
    %shift_right_arithmetic3A_299 = arith.constant 1 : i32
    %shift_right_arithmetic3A_300 = vector.broadcast %shift_right_arithmetic3A_299 : i32 to vector<16xi32>
    %shift_right_arithmetic3A_301 = arith.shrsi %add3A_298, %shift_right_arithmetic3A_300 : vector<16xi32>
    %gather3A_302 = tpu.vector_load_idx %arg12[%shift_right_arithmetic3A_301] : memref<256xi32, #tpu.memory_space<vmem>>[vector<16xi32>], vector<16xi32>,
    %lt3A_303 = arith.cmpi slt, %gather3A_302, %gather3A_239 : vector<16xi32>
    %add3A_304 = arith.constant 1 : i32
    %add3A_305 = vector.broadcast %add3A_304 : i32 to vector<16xi32>
    %add3A_306 = arith.addi %shift_right_arithmetic3A_301, %add3A_305 : vector<16xi32>
    %select_n3A_307 = arith.select %lt3A_303, %add3A_306, %select_n3A_285 : vector<16xi1>, vector<16xi32>
    %select_n3A_308 = arith.select %lt3A_303, %select_n3A_286, %shift_right_arithmetic3A_301 : vector<16xi1>, vector<16xi32>
    %add3A_309 = arith.addi %select_n3A_296, %select_n3A_297 : vector<16xi32>
    %shift_right_arithmetic3A_310 = arith.constant 1 : i32
    %shift_right_arithmetic3A_311 = vector.broadcast %shift_right_arithmetic3A_310 : i32 to vector<16xi32>
    %shift_right_arithmetic3A_312 = arith.shrsi %add3A_309, %shift_right_arithmetic3A_311 : vector<16xi32>
    %gather3A_313 = tpu.vector_load_idx %arg11[%shift_right_arithmetic3A_312] : memref<256xi32, #tpu.memory_space<vmem>>[vector<16xi32>], vector<16xi32>,
    %le3A_314 = arith.cmpi sle, %gather3A_313, %gather3A : vector<16xi32>
    %add3A_315 = arith.constant 1 : i32
    %add3A_316 = vector.broadcast %add3A_315 : i32 to vector<16xi32>
    %add3A_317 = arith.addi %shift_right_arithmetic3A_312, %add3A_316 : vector<16xi32>
    %select_n3A_318 = arith.select %le3A_314, %add3A_317, %select_n3A_296 : vector<16xi1>, vector<16xi32>
    %select_n3A_319 = arith.select %le3A_314, %select_n3A_297, %shift_right_arithmetic3A_312 : vector<16xi1>, vector<16xi32>
    %add3A_320 = arith.addi %select_n3A_307, %select_n3A_308 : vector<16xi32>
    %shift_right_arithmetic3A_321 = arith.constant 1 : i32
    %shift_right_arithmetic3A_322 = vector.broadcast %shift_right_arithmetic3A_321 : i32 to vector<16xi32>
    %shift_right_arithmetic3A_323 = arith.shrsi %add3A_320, %shift_right_arithmetic3A_322 : vector<16xi32>
    %gather3A_324 = tpu.vector_load_idx %arg12[%shift_right_arithmetic3A_323] : memref<256xi32, #tpu.memory_space<vmem>>[vector<16xi32>], vector<16xi32>,
    %lt3A_325 = arith.cmpi slt, %gather3A_324, %gather3A_239 : vector<16xi32>
    %add3A_326 = arith.constant 1 : i32
    %add3A_327 = vector.broadcast %add3A_326 : i32 to vector<16xi32>
    %add3A_328 = arith.addi %shift_right_arithmetic3A_323, %add3A_327 : vector<16xi32>
    %select_n3A_329 = arith.select %lt3A_325, %add3A_328, %select_n3A_307 : vector<16xi1>, vector<16xi32>
    %select_n3A_330 = arith.select %lt3A_325, %select_n3A_308, %shift_right_arithmetic3A_323 : vector<16xi1>, vector<16xi32>
    %add3A_331 = arith.addi %select_n3A_318, %select_n3A_319 : vector<16xi32>
    %shift_right_arithmetic3A_332 = arith.constant 1 : i32
    %shift_right_arithmetic3A_333 = vector.broadcast %shift_right_arithmetic3A_332 : i32 to vector<16xi32>
    %shift_right_arithmetic3A_334 = arith.shrsi %add3A_331, %shift_right_arithmetic3A_333 : vector<16xi32>
    %gather3A_335 = tpu.vector_load_idx %arg11[%shift_right_arithmetic3A_334] : memref<256xi32, #tpu.memory_space<vmem>>[vector<16xi32>], vector<16xi32>,
    %le3A_336 = arith.cmpi sle, %gather3A_335, %gather3A : vector<16xi32>
    %add3A_337 = arith.constant 1 : i32
    %add3A_338 = vector.broadcast %add3A_337 : i32 to vector<16xi32>
    %add3A_339 = arith.addi %shift_right_arithmetic3A_334, %add3A_338 : vector<16xi32>
    %select_n3A_340 = arith.select %le3A_336, %add3A_339, %select_n3A_318 : vector<16xi1>, vector<16xi32>
    %select_n3A_341 = arith.select %le3A_336, %select_n3A_319, %shift_right_arithmetic3A_334 : vector<16xi1>, vector<16xi32>
    %add3A_342 = arith.addi %select_n3A_329, %select_n3A_330 : vector<16xi32>
    %shift_right_arithmetic3A_343 = arith.constant 1 : i32
    %shift_right_arithmetic3A_344 = vector.broadcast %shift_right_arithmetic3A_343 : i32 to vector<16xi32>
    %shift_right_arithmetic3A_345 = arith.shrsi %add3A_342, %shift_right_arithmetic3A_344 : vector<16xi32>
    %gather3A_346 = tpu.vector_load_idx %arg12[%shift_right_arithmetic3A_345] : memref<256xi32, #tpu.memory_space<vmem>>[vector<16xi32>], vector<16xi32>,
    %lt3A_347 = arith.cmpi slt, %gather3A_346, %gather3A_239 : vector<16xi32>
    %add3A_348 = arith.constant 1 : i32
    %add3A_349 = vector.broadcast %add3A_348 : i32 to vector<16xi32>
    %add3A_350 = arith.addi %shift_right_arithmetic3A_345, %add3A_349 : vector<16xi32>
    %select_n3A_351 = arith.select %lt3A_347, %add3A_350, %select_n3A_329 : vector<16xi1>, vector<16xi32>
    %select_n3A_352 = arith.select %lt3A_347, %select_n3A_330, %shift_right_arithmetic3A_345 : vector<16xi1>, vector<16xi32>
    %add3A_353 = arith.addi %select_n3A_340, %select_n3A_341 : vector<16xi32>
    %shift_right_arithmetic3A_354 = arith.constant 1 : i32
    %shift_right_arithmetic3A_355 = vector.broadcast %shift_right_arithmetic3A_354 : i32 to vector<16xi32>
    %shift_right_arithmetic3A_356 = arith.shrsi %add3A_353, %shift_right_arithmetic3A_355 : vector<16xi32>
    %gather3A_357 = tpu.vector_load_idx %arg11[%shift_right_arithmetic3A_356] : memref<256xi32, #tpu.memory_space<vmem>>[vector<16xi32>], vector<16xi32>,
    %le3A_358 = arith.cmpi sle, %gather3A_357, %gather3A : vector<16xi32>
    %add3A_359 = arith.constant 1 : i32
    %add3A_360 = vector.broadcast %add3A_359 : i32 to vector<16xi32>
    %add3A_361 = arith.addi %shift_right_arithmetic3A_356, %add3A_360 : vector<16xi32>
    %select_n3A_362 = arith.select %le3A_358, %add3A_361, %select_n3A_340 : vector<16xi1>, vector<16xi32>
    %select_n3A_363 = arith.select %le3A_358, %select_n3A_341, %shift_right_arithmetic3A_356 : vector<16xi1>, vector<16xi32>
    %add3A_364 = arith.addi %select_n3A_351, %select_n3A_352 : vector<16xi32>
    %shift_right_arithmetic3A_365 = arith.constant 1 : i32
    %shift_right_arithmetic3A_366 = vector.broadcast %shift_right_arithmetic3A_365 : i32 to vector<16xi32>
    %shift_right_arithmetic3A_367 = arith.shrsi %add3A_364, %shift_right_arithmetic3A_366 : vector<16xi32>
    %gather3A_368 = tpu.vector_load_idx %arg12[%shift_right_arithmetic3A_367] : memref<256xi32, #tpu.memory_space<vmem>>[vector<16xi32>], vector<16xi32>,
    %lt3A_369 = arith.cmpi slt, %gather3A_368, %gather3A_239 : vector<16xi32>
    %add3A_370 = arith.constant 1 : i32
    %add3A_371 = vector.broadcast %add3A_370 : i32 to vector<16xi32>
    %add3A_372 = arith.addi %shift_right_arithmetic3A_367, %add3A_371 : vector<16xi32>
    %select_n3A_373 = arith.select %lt3A_369, %add3A_372, %select_n3A_351 : vector<16xi1>, vector<16xi32>
    %select_n3A_374 = arith.select %lt3A_369, %select_n3A_352, %shift_right_arithmetic3A_367 : vector<16xi1>, vector<16xi32>
    %add3A_375 = arith.addi %select_n3A_362, %select_n3A_363 : vector<16xi32>
    %shift_right_arithmetic3A_376 = arith.constant 1 : i32
    %shift_right_arithmetic3A_377 = vector.broadcast %shift_right_arithmetic3A_376 : i32 to vector<16xi32>
    %shift_right_arithmetic3A_378 = arith.shrsi %add3A_375, %shift_right_arithmetic3A_377 : vector<16xi32>
    %gather3A_379 = tpu.vector_load_idx %arg11[%shift_right_arithmetic3A_378] : memref<256xi32, #tpu.memory_space<vmem>>[vector<16xi32>], vector<16xi32>,
    %le3A_380 = arith.cmpi sle, %gather3A_379, %gather3A : vector<16xi32>
    %add3A_381 = arith.constant 1 : i32
    %add3A_382 = vector.broadcast %add3A_381 : i32 to vector<16xi32>
    %add3A_383 = arith.addi %shift_right_arithmetic3A_378, %add3A_382 : vector<16xi32>
    %select_n3A_384 = arith.select %le3A_380, %add3A_383, %select_n3A_362 : vector<16xi1>, vector<16xi32>
    %select_n3A_385 = arith.select %le3A_380, %select_n3A_363, %shift_right_arithmetic3A_378 : vector<16xi1>, vector<16xi32>
    %add3A_386 = arith.addi %select_n3A_373, %select_n3A_374 : vector<16xi32>
    %shift_right_arithmetic3A_387 = arith.constant 1 : i32
    %shift_right_arithmetic3A_388 = vector.broadcast %shift_right_arithmetic3A_387 : i32 to vector<16xi32>
    %shift_right_arithmetic3A_389 = arith.shrsi %add3A_386, %shift_right_arithmetic3A_388 : vector<16xi32>
    %gather3A_390 = tpu.vector_load_idx %arg12[%shift_right_arithmetic3A_389] : memref<256xi32, #tpu.memory_space<vmem>>[vector<16xi32>], vector<16xi32>,
    %lt3A_391 = arith.cmpi slt, %gather3A_390, %gather3A_239 : vector<16xi32>
    %add3A_392 = arith.constant 1 : i32
    %add3A_393 = vector.broadcast %add3A_392 : i32 to vector<16xi32>
    %add3A_394 = arith.addi %shift_right_arithmetic3A_389, %add3A_393 : vector<16xi32>
    %select_n3A_395 = arith.select %lt3A_391, %add3A_394, %select_n3A_373 : vector<16xi1>, vector<16xi32>
    %select_n3A_396 = arith.select %lt3A_391, %select_n3A_374, %shift_right_arithmetic3A_389 : vector<16xi1>, vector<16xi32>
    %add3A_397 = arith.addi %select_n3A_384, %select_n3A_385 : vector<16xi32>
    %shift_right_arithmetic3A_398 = arith.constant 1 : i32
    %shift_right_arithmetic3A_399 = vector.broadcast %shift_right_arithmetic3A_398 : i32 to vector<16xi32>
    %shift_right_arithmetic3A_400 = arith.shrsi %add3A_397, %shift_right_arithmetic3A_399 : vector<16xi32>
    %gather3A_401 = tpu.vector_load_idx %arg11[%shift_right_arithmetic3A_400] : memref<256xi32, #tpu.memory_space<vmem>>[vector<16xi32>], vector<16xi32>,
    %le3A_402 = arith.cmpi sle, %gather3A_401, %gather3A : vector<16xi32>
    %add3A_403 = arith.constant 1 : i32
    %add3A_404 = vector.broadcast %add3A_403 : i32 to vector<16xi32>
    %add3A_405 = arith.addi %shift_right_arithmetic3A_400, %add3A_404 : vector<16xi32>
    %select_n3A_406 = arith.select %le3A_402, %add3A_405, %select_n3A_384 : vector<16xi1>, vector<16xi32>
    %select_n3A_407 = arith.select %le3A_402, %select_n3A_385, %shift_right_arithmetic3A_400 : vector<16xi1>, vector<16xi32>
    %add3A_408 = arith.addi %select_n3A_395, %select_n3A_396 : vector<16xi32>
    %shift_right_arithmetic3A_409 = arith.constant 1 : i32
    %shift_right_arithmetic3A_410 = vector.broadcast %shift_right_arithmetic3A_409 : i32 to vector<16xi32>
    %shift_right_arithmetic3A_411 = arith.shrsi %add3A_408, %shift_right_arithmetic3A_410 : vector<16xi32>
    %gather3A_412 = tpu.vector_load_idx %arg12[%shift_right_arithmetic3A_411] : memref<256xi32, #tpu.memory_space<vmem>>[vector<16xi32>], vector<16xi32>,
    %lt3A_413 = arith.cmpi slt, %gather3A_412, %gather3A_239 : vector<16xi32>
    %add3A_414 = arith.constant 1 : i32
    %add3A_415 = vector.broadcast %add3A_414 : i32 to vector<16xi32>
    %add3A_416 = arith.addi %shift_right_arithmetic3A_411, %add3A_415 : vector<16xi32>
    %select_n3A_417 = arith.select %lt3A_413, %add3A_416, %select_n3A_395 : vector<16xi1>, vector<16xi32>
    %select_n3A_418 = arith.select %lt3A_413, %select_n3A_396, %shift_right_arithmetic3A_411 : vector<16xi1>, vector<16xi32>
    %sub3A = arith.subi %select_n3A_406, %add3A_238 : vector<16xi32>
    %sub3A_419 = arith.subi %add3A_238, %select_n3A_417 : vector<16xi32>
    %add3A_420 = arith.constant 1 : i32
    %add3A_421 = vector.broadcast %add3A_420 : i32 to vector<16xi32>
    %add3A_422 = arith.addi %sub3A_419, %add3A_421 : vector<16xi32>
    %swap3A_423 = arith.constant 16 : index
    %swap3A_424 = tpu.vector_load %arg13[%swap3A_423] {strides = array<i32>} : memref<32xi32, #tpu.memory_space<vmem>>, vector<16xi32>,
    tpu.vector_store %arg13[%swap3A_423], %sub3A {strides = array<i32>} : memref<32xi32, #tpu.memory_space<vmem>>, vector<16xi32>,
    %swap3A_425 = arith.constant 16 : index
    %swap3A_426 = tpu.vector_load %arg14[%swap3A_425] {strides = array<i32>} : memref<32xi32, #tpu.memory_space<vmem>>, vector<16xi32>,
    tpu.vector_store %arg14[%swap3A_425], %add3A_422 {strides = array<i32>} : memref<32xi32, #tpu.memory_space<vmem>>, vector<16xi32>,
    %dma_start3A_427 = arith.constant 0 : i32
    %dma_start3A_428 = arith.constant 0 : i32
    %dma_start3A_429 = arith.constant 16 : i32
    %dma_start3A_430 = tpu.memref_slice %arg13[%dma_start3A_429] : memref<32xi32, #tpu.memory_space<vmem>> -> memref<16xi32, #tpu.memory_space<vmem>>
    %dma_start3A_431 = tpu.memref_slice %arg3[%dma_start3A_427, %dma_start3A_428, %mul3A_236] : memref<1x1x256xi32, #tpu.memory_space<hbm>> -> memref<1x1x16xi32, #tpu.memory_space<hbm>>
    %dma_start3A_432 = tpu.memref_squeeze %dma_start3A_431 : memref<1x1x16xi32, #tpu.memory_space<hbm>> -> memref<16xi32, #tpu.memory_space<hbm>>
    %dma_start3A_433 = tpu.memref_slice %arg3[%dma_start3A_427, %dma_start3A_428, %mul3A_236] : memref<1x1x256xi32, #tpu.memory_space<hbm>> -> memref<1x1x16xi32, #tpu.memory_space<hbm>>
    %dma_start3A_434 = tpu.memref_squeeze %dma_start3A_433 : memref<1x1x16xi32, #tpu.memory_space<hbm>> -> memref<16xi32, #tpu.memory_space<hbm>>
    %dma_start3A_435 = arith.constant 16 : i32
    %dma_start3A_436 = tpu.memref_slice %arg13[%dma_start3A_435] : memref<32xi32, #tpu.memory_space<vmem>> -> memref<16xi32, #tpu.memory_space<vmem>>
    tpu.enqueue_dma source(%dma_start3A_436 : memref<16xi32, #tpu.memory_space<vmem>>) target(%dma_start3A_434 : memref<16xi32, #tpu.memory_space<hbm>>) target_semaphore(%arg17 : memref<!tpu.dma_semaphore, #tpu.memory_space<semaphore_mem>>)
    %dma_start3A_437 = arith.constant 0 : i32
    %dma_start3A_438 = arith.constant 0 : i32
    %dma_start3A_439 = arith.constant 16 : i32
    %dma_start3A_440 = tpu.memref_slice %arg14[%dma_start3A_439] : memref<32xi32, #tpu.memory_space<vmem>> -> memref<16xi32, #tpu.memory_space<vmem>>
    %dma_start3A_441 = tpu.memref_slice %arg5[%dma_start3A_437, %dma_start3A_438, %mul3A_236] : memref<1x1x256xi32, #tpu.memory_space<hbm>> -> memref<1x1x16xi32, #tpu.memory_space<hbm>>
    %dma_start3A_442 = tpu.memref_squeeze %dma_start3A_441 : memref<1x1x16xi32, #tpu.memory_space<hbm>> -> memref<16xi32, #tpu.memory_space<hbm>>
    %dma_start3A_443 = tpu.memref_slice %arg5[%dma_start3A_437, %dma_start3A_438, %mul3A_236] : memref<1x1x256xi32, #tpu.memory_space<hbm>> -> memref<1x1x16xi32, #tpu.memory_space<hbm>>
    %dma_start3A_444 = tpu.memref_squeeze %dma_start3A_443 : memref<1x1x16xi32, #tpu.memory_space<hbm>> -> memref<16xi32, #tpu.memory_space<hbm>>
    %dma_start3A_445 = arith.constant 16 : i32
    %dma_start3A_446 = tpu.memref_slice %arg14[%dma_start3A_445] : memref<32xi32, #tpu.memory_space<vmem>> -> memref<16xi32, #tpu.memory_space<vmem>>
    tpu.enqueue_dma source(%dma_start3A_446 : memref<16xi32, #tpu.memory_space<vmem>>) target(%dma_start3A_444 : memref<16xi32, #tpu.memory_space<hbm>>) target_semaphore(%arg17 : memref<!tpu.dma_semaphore, #tpu.memory_space<semaphore_mem>>)
    %scan3A = arith.constant 0 : i32
    %scan3A_447 = arith.constant 16 : i32
    %scan3A_448 = arith.addi %scan3A, %scan3A_447 : i32
    %scan3A_449 = arith.constant 1 : i32
    scf.for %scan3A_508 = %scan3A to %scan3A_448 step %scan3A_449  : i32 {
      %mul3A_509 = arith.constant 1 : i32
      %mul3A_510 = arith.muli %scan3A_508, %mul3A_509 : i32
      %add3A_511 = arith.constant 0 : i32
      %add3A_512 = arith.addi %add3A_511, %mul3A_510 : i32
      %add3A_513 = arith.addi %mul3A_236, %add3A_512 : i32
      %broadcast_in_dim3A_514 = arith.constant 16 : i32
      %broadcast_in_dim3A_515 = vector.broadcast %broadcast_in_dim3A_514 : i32 to vector<16xi32>
      %add3A_516 = vector.broadcast %add3A_512 : i32 to vector<16xi32>
      %add3A_517 = arith.addi %broadcast_in_dim3A_515, %add3A_516 : vector<16xi32>
      %gather3A_518 = tpu.vector_load_idx %arg13[%add3A_517] : memref<32xi32, #tpu.memory_space<vmem>>[vector<16xi32>], vector<16xi32>,
      %add3A_519 = vector.broadcast %add3A_513 : i32 to vector<16xi32>
      %add3A_520 = arith.addi %gather3A_518, %add3A_519 : vector<16xi32>
      %scan3A_521 = arith.constant 0 : i32
      %scan3A_522 = arith.constant 16 : i32
      %scan3A_523 = arith.addi %scan3A_521, %scan3A_522 : i32
      %scan3A_524 = arith.constant 4 : i32
      scf.for %scan3A_526 = %scan3A_521 to %scan3A_523 step %scan3A_524  : i32 {
        %mul3A_527 = arith.constant 1 : i32
        %mul3A_528 = arith.muli %scan3A_526, %mul3A_527 : i32
        %add3A_529 = arith.constant 0 : i32
        %add3A_530 = arith.addi %add3A_529, %mul3A_528 : i32
        %mul3A_531 = arith.constant 16 : i32
        %mul3A_532 = arith.muli %mul3A_531, %add3A_530 : i32
        %add3A_533 = vector.broadcast %mul3A_532 : i32 to vector<16xi32>
        %add3A_534 = arith.addi %iota3A, %add3A_533 : vector<16xi32>
        %lt3A_535 = arith.cmpi slt, %add3A_534, %gather3A_518 : vector<16xi32>
        %add3A_536 = vector.broadcast %add3A_513 : i32 to vector<16xi32>
        %add3A_537 = arith.addi %add3A_536, %add3A_534 : vector<16xi32>
        %lt3A_538 = arith.cmpi slt, %add3A_534, %add3A_520 : vector<16xi32>
        %sub3A_539 = arith.subi %add3A_534, %gather3A_518 : vector<16xi32>
        %select_n3A_540 = arith.select %lt3A_538, %sub3A_539, %add3A_534 : vector<16xi1>, vector<16xi32>
        %select_n3A_541 = arith.select %lt3A_535, %add3A_537, %select_n3A_540 : vector<16xi1>, vector<16xi32>
        %mul3A_542 = arith.constant 16 : i32
        %mul3A_543 = arith.muli %mul3A_542, %add3A_530 : i32
        %swap3A_544 = arith.index_cast %add3A_512 : i32 to index
        %swap3A_545 = arith.index_cast %mul3A_543 : i32 to index
        %swap3A_546 = tpu.vector_load %arg15[%swap3A_544, %swap3A_545] {strides = array<i32>} : memref<16x256xi32, #tpu.memory_space<vmem>>, vector<16xi32>,
        tpu.vector_store %arg15[%swap3A_544, %swap3A_545], %select_n3A_541 {strides = array<i32>} : memref<16x256xi32, #tpu.memory_space<vmem>>, vector<16xi32>,
        %scan3A_547 = arith.constant 1 : i32
        %scan3A_548 = arith.addi %scan3A_526, %scan3A_547 : i32
        %mul3A_549 = arith.constant 1 : i32
        %mul3A_550 = arith.muli %scan3A_548, %mul3A_549 : i32
        %add3A_551 = arith.constant 0 : i32
        %add3A_552 = arith.addi %add3A_551, %mul3A_550 : i32
        %mul3A_553 = arith.constant 16 : i32
        %mul3A_554 = arith.muli %mul3A_553, %add3A_552 : i32
        %add3A_555 = vector.broadcast %mul3A_554 : i32 to vector<16xi32>
        %add3A_556 = arith.addi %iota3A, %add3A_555 : vector<16xi32>
        %lt3A_557 = arith.cmpi slt, %add3A_556, %gather3A_518 : vector<16xi32>
        %add3A_558 = vector.broadcast %add3A_513 : i32 to vector<16xi32>
        %add3A_559 = arith.addi %add3A_558, %add3A_556 : vector<16xi32>
        %lt3A_560 = arith.cmpi slt, %add3A_556, %add3A_520 : vector<16xi32>
        %sub3A_561 = arith.subi %add3A_556, %gather3A_518 : vector<16xi32>
        %select_n3A_562 = arith.select %lt3A_560, %sub3A_561, %add3A_556 : vector<16xi1>, vector<16xi32>
        %select_n3A_563 = arith.select %lt3A_557, %add3A_559, %select_n3A_562 : vector<16xi1>, vector<16xi32>
        %mul3A_564 = arith.constant 16 : i32
        %mul3A_565 = arith.muli %mul3A_564, %add3A_552 : i32
        %swap3A_566 = arith.index_cast %add3A_512 : i32 to index
        %swap3A_567 = arith.index_cast %mul3A_565 : i32 to index
        %swap3A_568 = tpu.vector_load %arg15[%swap3A_566, %swap3A_567] {strides = array<i32>} : memref<16x256xi32, #tpu.memory_space<vmem>>, vector<16xi32>,
        tpu.vector_store %arg15[%swap3A_566, %swap3A_567], %select_n3A_563 {strides = array<i32>} : memref<16x256xi32, #tpu.memory_space<vmem>>, vector<16xi32>,
        %scan3A_569 = arith.constant 2 : i32
        %scan3A_570 = arith.addi %scan3A_526, %scan3A_569 : i32
        %mul3A_571 = arith.constant 1 : i32
        %mul3A_572 = arith.muli %scan3A_570, %mul3A_571 : i32
        %add3A_573 = arith.constant 0 : i32
        %add3A_574 = arith.addi %add3A_573, %mul3A_572 : i32
        %mul3A_575 = arith.constant 16 : i32
        %mul3A_576 = arith.muli %mul3A_575, %add3A_574 : i32
        %add3A_577 = vector.broadcast %mul3A_576 : i32 to vector<16xi32>
        %add3A_578 = arith.addi %iota3A, %add3A_577 : vector<16xi32>
        %lt3A_579 = arith.cmpi slt, %add3A_578, %gather3A_518 : vector<16xi32>
        %add3A_580 = vector.broadcast %add3A_513 : i32 to vector<16xi32>
        %add3A_581 = arith.addi %add3A_580, %add3A_578 : vector<16xi32>
        %lt3A_582 = arith.cmpi slt, %add3A_578, %add3A_520 : vector<16xi32>
        %sub3A_583 = arith.subi %add3A_578, %gather3A_518 : vector<16xi32>
        %select_n3A_584 = arith.select %lt3A_582, %sub3A_583, %add3A_578 : vector<16xi1>, vector<16xi32>
        %select_n3A_585 = arith.select %lt3A_579, %add3A_581, %select_n3A_584 : vector<16xi1>, vector<16xi32>
        %mul3A_586 = arith.constant 16 : i32
        %mul3A_587 = arith.muli %mul3A_586, %add3A_574 : i32
        %swap3A_588 = arith.index_cast %add3A_512 : i32 to index
        %swap3A_589 = arith.index_cast %mul3A_587 : i32 to index
        %swap3A_590 = tpu.vector_load %arg15[%swap3A_588, %swap3A_589] {strides = array<i32>} : memref<16x256xi32, #tpu.memory_space<vmem>>, vector<16xi32>,
        tpu.vector_store %arg15[%swap3A_588, %swap3A_589], %select_n3A_585 {strides = array<i32>} : memref<16x256xi32, #tpu.memory_space<vmem>>, vector<16xi32>,
        %scan3A_591 = arith.constant 3 : i32
        %scan3A_592 = arith.addi %scan3A_526, %scan3A_591 : i32
        %mul3A_593 = arith.constant 1 : i32
        %mul3A_594 = arith.muli %scan3A_592, %mul3A_593 : i32
        %add3A_595 = arith.constant 0 : i32
        %add3A_596 = arith.addi %add3A_595, %mul3A_594 : i32
        %mul3A_597 = arith.constant 16 : i32
        %mul3A_598 = arith.muli %mul3A_597, %add3A_596 : i32
        %add3A_599 = vector.broadcast %mul3A_598 : i32 to vector<16xi32>
        %add3A_600 = arith.addi %iota3A, %add3A_599 : vector<16xi32>
        %lt3A_601 = arith.cmpi slt, %add3A_600, %gather3A_518 : vector<16xi32>
        %add3A_602 = vector.broadcast %add3A_513 : i32 to vector<16xi32>
        %add3A_603 = arith.addi %add3A_602, %add3A_600 : vector<16xi32>
        %lt3A_604 = arith.cmpi slt, %add3A_600, %add3A_520 : vector<16xi32>
        %sub3A_605 = arith.subi %add3A_600, %gather3A_518 : vector<16xi32>
        %select_n3A_606 = arith.select %lt3A_604, %sub3A_605, %add3A_600 : vector<16xi1>, vector<16xi32>
        %select_n3A_607 = arith.select %lt3A_601, %add3A_603, %select_n3A_606 : vector<16xi1>, vector<16xi32>
        %mul3A_608 = arith.constant 16 : i32
        %mul3A_609 = arith.muli %mul3A_608, %add3A_596 : i32
        %swap3A_610 = arith.index_cast %add3A_512 : i32 to index
        %swap3A_611 = arith.index_cast %mul3A_609 : i32 to index
        %swap3A_612 = tpu.vector_load %arg15[%swap3A_610, %swap3A_611] {strides = array<i32>} : memref<16x256xi32, #tpu.memory_space<vmem>>, vector<16xi32>,
        tpu.vector_store %arg15[%swap3A_610, %swap3A_611], %select_n3A_607 {strides = array<i32>} : memref<16x256xi32, #tpu.memory_space<vmem>>, vector<16xi32>,
      }
      %scan3A_525 = arith.constant 16 : i32
    }
    %scan3A_450 = arith.constant 16 : i32
    %dma_start3A_451 = arith.constant 0 : i32
    %dma_start3A_452 = arith.constant 0 : i32
    %dma_start3A_453 = arith.constant 0 : i32
    %dma_start3A_454 = tpu.memref_slice %arg4[%dma_start3A_451, %dma_start3A_452, %mul3A_236, %dma_start3A_453] : memref<1x1x256x256xi32, #tpu.memory_space<hbm>> -> memref<1x1x16x256xi32, #tpu.memory_space<hbm>>
    %dma_start3A_455 = tpu.memref_squeeze %dma_start3A_454 : memref<1x1x16x256xi32, #tpu.memory_space<hbm>> -> memref<16x256xi32, #tpu.memory_space<hbm>>
    %dma_start3A_456 = arith.constant 0 : i32
    %dma_start3A_457 = tpu.memref_slice %arg4[%dma_start3A_451, %dma_start3A_452, %mul3A_236, %dma_start3A_456] : memref<1x1x256x256xi32, #tpu.memory_space<hbm>> -> memref<1x1x16x256xi32, #tpu.memory_space<hbm>>
    %dma_start3A_458 = tpu.memref_squeeze %dma_start3A_457 : memref<1x1x16x256xi32, #tpu.memory_space<hbm>> -> memref<16x256xi32, #tpu.memory_space<hbm>>
    tpu.enqueue_dma source(%arg15 : memref<16x256xi32, #tpu.memory_space<vmem>>) target(%dma_start3A_458 : memref<16x256xi32, #tpu.memory_space<hbm>>) target_semaphore(%arg17 : memref<!tpu.dma_semaphore, #tpu.memory_space<semaphore_mem>>)
    %scan3A_459 = arith.constant 0 : i32
    %scan3A_460 = arith.constant 16 : i32
    %scan3A_461 = arith.addi %scan3A_459, %scan3A_460 : i32
    %scan3A_462 = arith.constant 1 : i32
    scf.for %scan3A_508 = %scan3A_459 to %scan3A_461 step %scan3A_462  : i32 {
      %mul3A_509 = arith.constant 1 : i32
      %mul3A_510 = arith.muli %scan3A_508, %mul3A_509 : i32
      %add3A_511 = arith.constant 0 : i32
      %add3A_512 = arith.addi %add3A_511, %mul3A_510 : i32
      %add3A_513 = arith.addi %mul3A_236, %add3A_512 : i32
      %broadcast_in_dim3A_514 = arith.constant 16 : i32
      %broadcast_in_dim3A_515 = vector.broadcast %broadcast_in_dim3A_514 : i32 to vector<16xi32>
      %add3A_516 = vector.broadcast %add3A_512 : i32 to vector<16xi32>
      %add3A_517 = arith.addi %broadcast_in_dim3A_515, %add3A_516 : vector<16xi32>
      %gather3A_518 = tpu.vector_load_idx %arg14[%add3A_517] : memref<32xi32, #tpu.memory_space<vmem>>[vector<16xi32>], vector<16xi32>,
      %sub3A_519 = vector.broadcast %add3A_513 : i32 to vector<16xi32>
      %sub3A_520 = arith.subi %sub3A_519, %gather3A_518 : vector<16xi32>
      %add3A_521 = arith.constant 1 : i32
      %add3A_522 = vector.broadcast %add3A_521 : i32 to vector<16xi32>
      %add3A_523 = arith.addi %sub3A_520, %add3A_522 : vector<16xi32>
      %scan3A_524 = arith.constant 0 : i32
      %scan3A_525 = arith.constant 16 : i32
      %scan3A_526 = arith.addi %scan3A_524, %scan3A_525 : i32
      %scan3A_527 = arith.constant 4 : i32
      scf.for %scan3A_529 = %scan3A_524 to %scan3A_526 step %scan3A_527  : i32 {
        %mul3A_530 = arith.constant 1 : i32
        %mul3A_531 = arith.muli %scan3A_529, %mul3A_530 : i32
        %add3A_532 = arith.constant 0 : i32
        %add3A_533 = arith.addi %add3A_532, %mul3A_531 : i32
        %mul3A_534 = arith.constant 16 : i32
        %mul3A_535 = arith.muli %mul3A_534, %add3A_533 : i32
        %add3A_536 = vector.broadcast %mul3A_535 : i32 to vector<16xi32>
        %add3A_537 = arith.addi %iota3A, %add3A_536 : vector<16xi32>
        %lt3A_538 = arith.cmpi slt, %add3A_537, %gather3A_518 : vector<16xi32>
        %add3A_539 = arith.addi %add3A_523, %add3A_537 : vector<16xi32>
        %add3A_540 = arith.constant 1 : i32
        %add3A_541 = arith.addi %add3A_513, %add3A_540 : i32
        %lt3A_542 = vector.broadcast %add3A_541 : i32 to vector<16xi32>
        %lt3A_543 = arith.cmpi slt, %add3A_537, %lt3A_542 : vector<16xi32>
        %sub3A_544 = arith.subi %add3A_537, %gather3A_518 : vector<16xi32>
        %select_n3A_545 = arith.select %lt3A_543, %sub3A_544, %add3A_537 : vector<16xi1>, vector<16xi32>
        %select_n3A_546 = arith.select %lt3A_538, %add3A_539, %select_n3A_545 : vector<16xi1>, vector<16xi32>
        %mul3A_547 = arith.constant 16 : i32
        %mul3A_548 = arith.muli %mul3A_547, %add3A_533 : i32
        %swap3A_549 = arith.index_cast %add3A_512 : i32 to index
        %swap3A_550 = arith.index_cast %mul3A_548 : i32 to index
        %swap3A_551 = tpu.vector_load %arg16[%swap3A_549, %swap3A_550] {strides = array<i32>} : memref<16x256xi32, #tpu.memory_space<vmem>>, vector<16xi32>,
        tpu.vector_store %arg16[%swap3A_549, %swap3A_550], %select_n3A_546 {strides = array<i32>} : memref<16x256xi32, #tpu.memory_space<vmem>>, vector<16xi32>,
        %scan3A_552 = arith.constant 1 : i32
        %scan3A_553 = arith.addi %scan3A_529, %scan3A_552 : i32
        %mul3A_554 = arith.constant 1 : i32
        %mul3A_555 = arith.muli %scan3A_553, %mul3A_554 : i32
        %add3A_556 = arith.constant 0 : i32
        %add3A_557 = arith.addi %add3A_556, %mul3A_555 : i32
        %mul3A_558 = arith.constant 16 : i32
        %mul3A_559 = arith.muli %mul3A_558, %add3A_557 : i32
        %add3A_560 = vector.broadcast %mul3A_559 : i32 to vector<16xi32>
        %add3A_561 = arith.addi %iota3A, %add3A_560 : vector<16xi32>
        %lt3A_562 = arith.cmpi slt, %add3A_561, %gather3A_518 : vector<16xi32>
        %add3A_563 = arith.addi %add3A_523, %add3A_561 : vector<16xi32>
        %add3A_564 = arith.constant 1 : i32
        %add3A_565 = arith.addi %add3A_513, %add3A_564 : i32
        %lt3A_566 = vector.broadcast %add3A_565 : i32 to vector<16xi32>
        %lt3A_567 = arith.cmpi slt, %add3A_561, %lt3A_566 : vector<16xi32>
        %sub3A_568 = arith.subi %add3A_561, %gather3A_518 : vector<16xi32>
        %select_n3A_569 = arith.select %lt3A_567, %sub3A_568, %add3A_561 : vector<16xi1>, vector<16xi32>
        %select_n3A_570 = arith.select %lt3A_562, %add3A_563, %select_n3A_569 : vector<16xi1>, vector<16xi32>
        %mul3A_571 = arith.constant 16 : i32
        %mul3A_572 = arith.muli %mul3A_571, %add3A_557 : i32
        %swap3A_573 = arith.index_cast %add3A_512 : i32 to index
        %swap3A_574 = arith.index_cast %mul3A_572 : i32 to index
        %swap3A_575 = tpu.vector_load %arg16[%swap3A_573, %swap3A_574] {strides = array<i32>} : memref<16x256xi32, #tpu.memory_space<vmem>>, vector<16xi32>,
        tpu.vector_store %arg16[%swap3A_573, %swap3A_574], %select_n3A_570 {strides = array<i32>} : memref<16x256xi32, #tpu.memory_space<vmem>>, vector<16xi32>,
        %scan3A_576 = arith.constant 2 : i32
        %scan3A_577 = arith.addi %scan3A_529, %scan3A_576 : i32
        %mul3A_578 = arith.constant 1 : i32
        %mul3A_579 = arith.muli %scan3A_577, %mul3A_578 : i32
        %add3A_580 = arith.constant 0 : i32
        %add3A_581 = arith.addi %add3A_580, %mul3A_579 : i32
        %mul3A_582 = arith.constant 16 : i32
        %mul3A_583 = arith.muli %mul3A_582, %add3A_581 : i32
        %add3A_584 = vector.broadcast %mul3A_583 : i32 to vector<16xi32>
        %add3A_585 = arith.addi %iota3A, %add3A_584 : vector<16xi32>
        %lt3A_586 = arith.cmpi slt, %add3A_585, %gather3A_518 : vector<16xi32>
        %add3A_587 = arith.addi %add3A_523, %add3A_585 : vector<16xi32>
        %add3A_588 = arith.constant 1 : i32
        %add3A_589 = arith.addi %add3A_513, %add3A_588 : i32
        %lt3A_590 = vector.broadcast %add3A_589 : i32 to vector<16xi32>
        %lt3A_591 = arith.cmpi slt, %add3A_585, %lt3A_590 : vector<16xi32>
        %sub3A_592 = arith.subi %add3A_585, %gather3A_518 : vector<16xi32>
        %select_n3A_593 = arith.select %lt3A_591, %sub3A_592, %add3A_585 : vector<16xi1>, vector<16xi32>
        %select_n3A_594 = arith.select %lt3A_586, %add3A_587, %select_n3A_593 : vector<16xi1>, vector<16xi32>
        %mul3A_595 = arith.constant 16 : i32
        %mul3A_596 = arith.muli %mul3A_595, %add3A_581 : i32
        %swap3A_597 = arith.index_cast %add3A_512 : i32 to index
        %swap3A_598 = arith.index_cast %mul3A_596 : i32 to index
        %swap3A_599 = tpu.vector_load %arg16[%swap3A_597, %swap3A_598] {strides = array<i32>} : memref<16x256xi32, #tpu.memory_space<vmem>>, vector<16xi32>,
        tpu.vector_store %arg16[%swap3A_597, %swap3A_598], %select_n3A_594 {strides = array<i32>} : memref<16x256xi32, #tpu.memory_space<vmem>>, vector<16xi32>,
        %scan3A_600 = arith.constant 3 : i32
        %scan3A_601 = arith.addi %scan3A_529, %scan3A_600 : i32
        %mul3A_602 = arith.constant 1 : i32
        %mul3A_603 = arith.muli %scan3A_601, %mul3A_602 : i32
        %add3A_604 = arith.constant 0 : i32
        %add3A_605 = arith.addi %add3A_604, %mul3A_603 : i32
        %mul3A_606 = arith.constant 16 : i32
        %mul3A_607 = arith.muli %mul3A_606, %add3A_605 : i32
        %add3A_608 = vector.broadcast %mul3A_607 : i32 to vector<16xi32>
        %add3A_609 = arith.addi %iota3A, %add3A_608 : vector<16xi32>
        %lt3A_610 = arith.cmpi slt, %add3A_609, %gather3A_518 : vector<16xi32>
        %add3A_611 = arith.addi %add3A_523, %add3A_609 : vector<16xi32>
        %add3A_612 = arith.constant 1 : i32
        %add3A_613 = arith.addi %add3A_513, %add3A_612 : i32
        %lt3A_614 = vector.broadcast %add3A_613 : i32 to vector<16xi32>
        %lt3A_615 = arith.cmpi slt, %add3A_609, %lt3A_614 : vector<16xi32>
        %sub3A_616 = arith.subi %add3A_609, %gather3A_518 : vector<16xi32>
        %select_n3A_617 = arith.select %lt3A_615, %sub3A_616, %add3A_609 : vector<16xi1>, vector<16xi32>
        %select_n3A_618 = arith.select %lt3A_610, %add3A_611, %select_n3A_617 : vector<16xi1>, vector<16xi32>
        %mul3A_619 = arith.constant 16 : i32
        %mul3A_620 = arith.muli %mul3A_619, %add3A_605 : i32
        %swap3A_621 = arith.index_cast %add3A_512 : i32 to index
        %swap3A_622 = arith.index_cast %mul3A_620 : i32 to index
        %swap3A_623 = tpu.vector_load %arg16[%swap3A_621, %swap3A_622] {strides = array<i32>} : memref<16x256xi32, #tpu.memory_space<vmem>>, vector<16xi32>,
        tpu.vector_store %arg16[%swap3A_621, %swap3A_622], %select_n3A_618 {strides = array<i32>} : memref<16x256xi32, #tpu.memory_space<vmem>>, vector<16xi32>,
      }
      %scan3A_528 = arith.constant 16 : i32
    }
    %scan3A_463 = arith.constant 16 : i32
    %dma_start3A_464 = arith.constant 0 : i32
    %dma_start3A_465 = arith.constant 0 : i32
    %dma_start3A_466 = arith.constant 0 : i32
    %dma_start3A_467 = tpu.memref_slice %arg6[%dma_start3A_464, %dma_start3A_465, %mul3A_236, %dma_start3A_466] : memref<1x1x256x256xi32, #tpu.memory_space<hbm>> -> memref<1x1x16x256xi32, #tpu.memory_space<hbm>>
    %dma_start3A_468 = tpu.memref_squeeze %dma_start3A_467 : memref<1x1x16x256xi32, #tpu.memory_space<hbm>> -> memref<16x256xi32, #tpu.memory_space<hbm>>
    %dma_start3A_469 = arith.constant 0 : i32
    %dma_start3A_470 = tpu.memref_slice %arg6[%dma_start3A_464, %dma_start3A_465, %mul3A_236, %dma_start3A_469] : memref<1x1x256x256xi32, #tpu.memory_space<hbm>> -> memref<1x1x16x256xi32, #tpu.memory_space<hbm>>
    %dma_start3A_471 = tpu.memref_squeeze %dma_start3A_470 : memref<1x1x16x256xi32, #tpu.memory_space<hbm>> -> memref<16x256xi32, #tpu.memory_space<hbm>>
    tpu.enqueue_dma source(%arg16 : memref<16x256xi32, #tpu.memory_space<vmem>>) target(%dma_start3A_471 : memref<16x256xi32, #tpu.memory_space<hbm>>) target_semaphore(%arg17 : memref<!tpu.dma_semaphore, #tpu.memory_space<semaphore_mem>>)
    %dma_wait3A_472 = arith.constant 0 : i32
    %dma_wait3A_473 = arith.constant 0 : i32
    %dma_wait3A_474 = arith.constant 16 : i32
    %dma_wait3A_475 = tpu.memref_slice %arg13[%dma_wait3A_474] : memref<32xi32, #tpu.memory_space<vmem>> -> memref<16xi32, #tpu.memory_space<vmem>>
    %dma_wait3A_476 = tpu.memref_slice %arg3[%dma_wait3A_472, %dma_wait3A_473, %mul3A_236] : memref<1x1x256xi32, #tpu.memory_space<hbm>> -> memref<1x1x16xi32, #tpu.memory_space<hbm>>
    %dma_wait3A_477 = tpu.memref_squeeze %dma_wait3A_476 : memref<1x1x16xi32, #tpu.memory_space<hbm>> -> memref<16xi32, #tpu.memory_space<hbm>>
    %dma_wait3A_478 = tpu.memref_slice %arg3[%dma_wait3A_472, %dma_wait3A_473, %mul3A_236] : memref<1x1x256xi32, #tpu.memory_space<hbm>> -> memref<1x1x16xi32, #tpu.memory_space<hbm>>
    %dma_wait3A_479 = tpu.memref_squeeze %dma_wait3A_478 : memref<1x1x16xi32, #tpu.memory_space<hbm>> -> memref<16xi32, #tpu.memory_space<hbm>>
    %dma_wait3A_480 = arith.constant 16 : i32
    %dma_wait3A_481 = tpu.memref_slice %arg13[%dma_wait3A_480] : memref<32xi32, #tpu.memory_space<vmem>> -> memref<16xi32, #tpu.memory_space<vmem>>
    tpu.wait_dma2 semaphore(%arg17 : memref<!tpu.dma_semaphore, #tpu.memory_space<semaphore_mem>>) src(%dma_wait3A_481 : memref<16xi32, #tpu.memory_space<vmem>>) dst(%dma_wait3A_479 : memref<16xi32, #tpu.memory_space<hbm>>)
    %dma_wait3A_482 = arith.constant 0 : i32
    %dma_wait3A_483 = arith.constant 0 : i32
    %dma_wait3A_484 = arith.constant 16 : i32
    %dma_wait3A_485 = tpu.memref_slice %arg14[%dma_wait3A_484] : memref<32xi32, #tpu.memory_space<vmem>> -> memref<16xi32, #tpu.memory_space<vmem>>
    %dma_wait3A_486 = tpu.memref_slice %arg5[%dma_wait3A_482, %dma_wait3A_483, %mul3A_236] : memref<1x1x256xi32, #tpu.memory_space<hbm>> -> memref<1x1x16xi32, #tpu.memory_space<hbm>>
    %dma_wait3A_487 = tpu.memref_squeeze %dma_wait3A_486 : memref<1x1x16xi32, #tpu.memory_space<hbm>> -> memref<16xi32, #tpu.memory_space<hbm>>
    %dma_wait3A_488 = tpu.memref_slice %arg5[%dma_wait3A_482, %dma_wait3A_483, %mul3A_236] : memref<1x1x256xi32, #tpu.memory_space<hbm>> -> memref<1x1x16xi32, #tpu.memory_space<hbm>>
    %dma_wait3A_489 = tpu.memref_squeeze %dma_wait3A_488 : memref<1x1x16xi32, #tpu.memory_space<hbm>> -> memref<16xi32, #tpu.memory_space<hbm>>
    %dma_wait3A_490 = arith.constant 16 : i32
    %dma_wait3A_491 = tpu.memref_slice %arg14[%dma_wait3A_490] : memref<32xi32, #tpu.memory_space<vmem>> -> memref<16xi32, #tpu.memory_space<vmem>>
    tpu.wait_dma2 semaphore(%arg17 : memref<!tpu.dma_semaphore, #tpu.memory_space<semaphore_mem>>) src(%dma_wait3A_491 : memref<16xi32, #tpu.memory_space<vmem>>) dst(%dma_wait3A_489 : memref<16xi32, #tpu.memory_space<hbm>>)
    %dma_wait3A_492 = arith.constant 0 : i32
    %dma_wait3A_493 = arith.constant 0 : i32
    %dma_wait3A_494 = arith.constant 0 : i32
    %dma_wait3A_495 = tpu.memref_slice %arg4[%dma_wait3A_492, %dma_wait3A_493, %mul3A_236, %dma_wait3A_494] : memref<1x1x256x256xi32, #tpu.memory_space<hbm>> -> memref<1x1x16x256xi32, #tpu.memory_space<hbm>>
    %dma_wait3A_496 = tpu.memref_squeeze %dma_wait3A_495 : memref<1x1x16x256xi32, #tpu.memory_space<hbm>> -> memref<16x256xi32, #tpu.memory_space<hbm>>
    %dma_wait3A_497 = arith.constant 0 : i32
    %dma_wait3A_498 = tpu.memref_slice %arg4[%dma_wait3A_492, %dma_wait3A_493, %mul3A_236, %dma_wait3A_497] : memref<1x1x256x256xi32, #tpu.memory_space<hbm>> -> memref<1x1x16x256xi32, #tpu.memory_space<hbm>>
    %dma_wait3A_499 = tpu.memref_squeeze %dma_wait3A_498 : memref<1x1x16x256xi32, #tpu.memory_space<hbm>> -> memref<16x256xi32, #tpu.memory_space<hbm>>
    tpu.wait_dma2 semaphore(%arg17 : memref<!tpu.dma_semaphore, #tpu.memory_space<semaphore_mem>>) src(%arg15 : memref<16x256xi32, #tpu.memory_space<vmem>>) dst(%dma_wait3A_499 : memref<16x256xi32, #tpu.memory_space<hbm>>)
    %dma_wait3A_500 = arith.constant 0 : i32
    %dma_wait3A_501 = arith.constant 0 : i32
    %dma_wait3A_502 = arith.constant 0 : i32
    %dma_wait3A_503 = tpu.memref_slice %arg6[%dma_wait3A_500, %dma_wait3A_501, %mul3A_236, %dma_wait3A_502] : memref<1x1x256x256xi32, #tpu.memory_space<hbm>> -> memref<1x1x16x256xi32, #tpu.memory_space<hbm>>
    %dma_wait3A_504 = tpu.memref_squeeze %dma_wait3A_503 : memref<1x1x16x256xi32, #tpu.memory_space<hbm>> -> memref<16x256xi32, #tpu.memory_space<hbm>>
    %dma_wait3A_505 = arith.constant 0 : i32
    %dma_wait3A_506 = tpu.memref_slice %arg6[%dma_wait3A_500, %dma_wait3A_501, %mul3A_236, %dma_wait3A_505] : memref<1x1x256x256xi32, #tpu.memory_space<hbm>> -> memref<1x1x16x256xi32, #tpu.memory_space<hbm>>
    %dma_wait3A_507 = tpu.memref_squeeze %dma_wait3A_506 : memref<1x1x16x256xi32, #tpu.memory_space<hbm>> -> memref<16x256xi32, #tpu.memory_space<hbm>>
    tpu.wait_dma2 semaphore(%arg17 : memref<!tpu.dma_semaphore, #tpu.memory_space<semaphore_mem>>) src(%arg16 : memref<16x256xi32, #tpu.memory_space<vmem>>) dst(%dma_wait3A_507 : memref<16x256xi32, #tpu.memory_space<hbm>>)
    return
  }
}

</mosaic_0001>

<sc_bundles>
// kernel: kernel.3.cloned.1.call-start
scs
__scs_entry_jumppad:
0x0: {  	(pc) =	sbr.rel $0x88, $3  }
0x1: {  	(tag) =	ssettag $0x0;
	lr =	simm.s32 $0x1  }
0x2: {  	[smem:$0x3FA0] =	sst lr;
	_ =	strace $0xD0000000  }
0x3: {  	_ = 	snop  }
0x4: {  	_ = 	snop  }
0x5: {  	_ = 	snop  }
0x6: {  	_ = 	snop  }
0x7: {  	_ = 	snop  }
__scs_overlays_trampoline_lowered:
0x8: {  	[smem:$0x3FAF] =	sst s0  }
0x9: {  	[smem:$0x3FB0] =	sst s1  }
0xa: {  	[smem:$0x3FB1] =	sst s2  }
0xb: {  	[smem:$0x3FB2] =	sst s3  }
0xc: {  	[smem:$0x3FB3] =	sst s4  }
0xd: {  	[smem:$0x3FB4] =	sst s5  }
0xe: {  	[smem:$0x3FB5] =	sst s6  }
0xf: {  	[smem:$0x3FB6] =	sst s7  }
0x10: {  	[smem:$0x3FB7] =	sst s8  }
0x11: {  	[smem:$0x3FB8] =	sst s9;
	s0 =	simm.s32 @!p0 $0x0  }
0x12: {  	s1 =	sld [smem:$0x3F9E];
	s0 =	simm.s32 @p0 $0x1  }
0x13: {  	[smem:$0x3FB9] =	sst s0;
	s0 =	simm.s32 @!p1 $0x0  }
0x14: {  	s2 =	sld [smem:$0x3F9D];
	s0 =	simm.s32 @p1 $0x1  }
0x15: {  	[smem:$0x3FBA] =	sst s0;
	s0 =	simm.s32 @!p2 $0x0  }
0x16: {  	s3 =	sld [smem:$0x3FDB];
	s0 =	simm.s32 @p2 $0x1  }
0x17: {  	s4 =	simm.s32 $0x1BF5;
	[smem:$0x3FBC] =	sst s0  }
0x18: {  	s0 =	sld [smem:$0x3F9F];
	_ =	swait.ge [sflag:s4], $0x0  }
0x19: {  	s7 =	sld [smem:$0x3FA0]  }
0x1a: {  	s8 =	sadd.s32 $0xFFFFE003, lr  }
0x1b: {  	s9 =	sadd.s32 $0xFFFFFEF7, lr;
	s5 =	simm.s32 $0xFFFFFFFF;
	p2 =	slt.u32 s8, $0xFFFFF086  }
0x1c: {  	p1 =	slt.u32 s9, $0xF7A;
	s5 =	simm.s32 @!p2 $0x0  }
0x1d: {  	s5 =	simm.s32 @p1 $0x1;
	p0 =	seq.s32 s7, s2  }
0x1e: {  	s7 =	smul.u32 @!p0 $0xF7A, s2;
	p2 =	seq.s32 @!p0 s5, $0x0  }
0x1f: {  	s9 =	smul.u32 $0xF7A, s1;
	s8 =	simm.s32 @!p0 $0x1BF5;
	p2 =	por !p2, p0  }
0x20: {  	[sflag:s8] =	ssyncset.s32 @!p0 $0xFFFFF086;
	s6 =	sadd.s32 @!p0 s3, s7;
	s7 =	simm.s32 @!p0 $0x108  }
0x21: {  	s3 =	sadd.s32 s3, s9;
	s6 =	sadd.s32 @!p0 $0x88, s6;
	s7 =	simm.s32 @p2 $0x1082  }
0x22: {  	[simem:s7], [sflag:s8] =	dma.local @!p0 [hbm:s6], $0xF7A  }
0x23: {  	s9 =	sor.u32 $0xD0000000, s2;
	s6 =	simm.s32 $0x108;
	_ =	swait.ge @!p0 [sflag:s8], $0x0  }
0x24: {  	s3 =	sadd.s32 $0x88, s3;
	s6 =	simm.s32 @!p1 $0x1082;
	[sflag:s4] =	ssyncset.s32 $0xFFFFF086  }
0x25: {  	[simem:s6], [sflag:s4] =	dma.local [hbm:s3], $0xF7A  }
0x26: {  	[smem:$0x3FA0] =	sst s1;
	(tag) =	ssettag s2;
	_ =	strace s9  }
0x27: {  	s1 =	sld [smem:$0x3FB0]  }
0x28: {  	s2 =	sld [smem:$0x3FB1]  }
0x29: {  	s4 =	sld [smem:$0x3FB3]  }
0x2a: {  	p0 =	seq.s32 s5, $0x0;
	s5 =	sld [smem:$0x3FB4]  }
0x2b: {  	s6 =	sld [smem:$0x3FB5]  }
0x2c: {  	s7 =	sld [smem:$0x3FB6]  }
0x2d: {  	s3 =	simm.s32 $0x108;
	s8 =	sld [smem:$0x3FB7]  }
0x2e: {  	s3 =	simm.s32 @!p0 $0x1082;
	s9 =	sld [smem:$0x3FB8]  }
0x2f: {  	lr =	sadd.s32 s0, s3;
	s0 =	sld [smem:$0x3FAF]  }
0x30: {  	s3 =	sld [smem:$0x3FB2]  }
0x31: {  	[smem:$0x3FBB] =	sst s10  }
0x32: {  	s10 =	sld [smem:$0x3FB9];
	_ =	sdelay $0x3  }
0x33: {  	p0 =	seq.s32 s10, $0x1;
	s10 =	sld [smem:$0x3FBB];
	_ =	sdelay $0x3  }
0x34: {  	[smem:$0x3FBB] =	sst s10  }
0x35: {  	s10 =	sld [smem:$0x3FBA];
	_ =	sdelay $0x3  }
0x36: {  	p1 =	seq.s32 s10, $0x1;
	s10 =	sld [smem:$0x3FBB];
	_ =	sdelay $0x3  }
0x37: {  	[smem:$0x3FBB] =	sst s10  }
0x38: {  	s10 =	sld [smem:$0x3FBC]  }
0x39: {  	_ = 	snop;
	(pc) =	sbr.ind lr, $3  }
0x3a: {  	_ = 	snop  }
0x3b: {  	_ = 	snop  }
0x3c: {  	p2 =	seq.s32 s10, $0x1;
	s10 =	sld [smem:$0x3FBB]  }
0x3d: {  	_ =	shalt  }
0x3e: {  	_ =	shalt  }
0x3f: {  	_ =	shalt  }
0x40: {  	_ =	shalt  }
0x41: {  	_ =	shalt  }
0x42: {  	_ =	shalt  }
0x43: {  	_ =	shalt  }
0x44: {  	_ =	shalt  }
0x45: {  	_ =	shalt  }
0x46: {  	_ =	shalt  }
0x47: {  	_ =	shalt  }
0x48: {  	_ =	shalt  }
0x49: {  	_ =	shalt  }
0x4a: {  	_ =	shalt  }
0x4b: {  	_ =	shalt  }
0x4c: {  	_ =	shalt  }
0x4d: {  	_ =	shalt  }
0x4e: {  	_ =	shalt  }
0x4f: {  	_ =	shalt  }
0x50: {  	_ =	shalt  }
0x51: {  	_ =	shalt  }
0x52: {  	_ =	shalt  }
0x53: {  	_ =	shalt  }
0x54: {  	_ =	shalt  }
0x55: {  	_ =	shalt  }
0x56: {  	_ =	shalt  }
0x57: {  	_ =	shalt  }
0x58: {  	_ =	shalt  }
0x59: {  	_ =	shalt  }
0x5a: {  	_ =	shalt  }
0x5b: {  	_ =	shalt  }
0x5c: {  	_ =	shalt  }
0x5d: {  	_ =	shalt  }
0x5e: {  	_ =	shalt  }
0x5f: {  	_ =	shalt  }
0x60: {  	_ =	shalt  }
0x61: {  	_ =	shalt  }
0x62: {  	_ =	shalt  }
0x63: {  	_ =	shalt  }
0x64: {  	_ =	shalt  }
0x65: {  	_ =	shalt  }
0x66: {  	_ =	shalt  }
0x67: {  	_ =	shalt  }
0x68: {  	_ =	shalt  }
0x69: {  	_ =	shalt  }
0x6a: {  	_ =	shalt  }
0x6b: {  	_ =	shalt  }
0x6c: {  	_ =	shalt  }
0x6d: {  	_ =	shalt  }
0x6e: {  	_ =	shalt  }
0x6f: {  	_ =	shalt  }
0x70: {  	_ =	shalt  }
0x71: {  	_ =	shalt  }
0x72: {  	_ =	shalt  }
0x73: {  	_ =	shalt  }
0x74: {  	_ =	shalt  }
0x75: {  	_ =	shalt  }
0x76: {  	_ =	shalt  }
0x77: {  	_ =	shalt  }
0x78: {  	_ =	shalt  }
0x79: {  	_ =	shalt  }
0x7a: {  	_ =	shalt  }
0x7b: {  	_ =	shalt  }
0x7c: {  	_ =	shalt  }
0x7d: {  	_ =	shalt  }
0x7e: {  	_ =	shalt  }
0x7f: {  	_ =	shalt  }
0x80: {  	_ =	shalt  }
0x81: {  	_ =	shalt  }
0x82: {  	_ =	shalt  }
0x83: {  	_ =	shalt  }
0x84: {  	_ =	shalt  }
0x85: {  	_ =	shalt  }
0x86: {  	_ =	shalt  }
0x87: {  	_ =	shalt  }
.Lfunc_end0:
.L_simem_size_0:
called_computation_lowered:
.L_overlay_start_0:
0x88: {  	s0 =	sld [smem:$0x3FD9]  }
0x89: {  	s1 =	sld [smem:$0x3FFE];
	_ =	sdelay $0x3  }
0x8a: {  	s0 =	sadd.s32 s1, s0  }
0x8b: {  	[smem:$0x3FC7] =	sst s0  }
0x8c: {  	_ = 	snop  }
0x8d: {  	s0 =	sld [smem:$0x3FD0];
	_ =	sdelay $0x2  }
0x8e: {  	s2 =	simm.s32 $0xA;
	s3 =	simm.s32 $0x10;
	s14 =	sld [smem:$0x3FC9]  }
0x8f: {  	[smem:s3], [sflag:s2] =	dma.local [hbm:s0], $0x1  }
0x90: {  	_ =	swait.eq [sflag:s2], $0x1  }
0x91: {  	s15 =	sld [smem:$0x10]  }
0x92: {  	s16 =	sld [smem:$0x11];
	[sflag:s2] =	ssyncset.done $0x0  }
0x93: {  	s4 =	sld [smem:$0x12];
	[sflag:s2] =	ssyncadd.s32 $0xFFFFFFFF  }
0x94: {  	s17 =	sld [smem:$0x13];
	(tm) =	ssettm $0x1  }
0x95: {  	s5 =	sld [smem:$0x3FFB];
	_ =	sdelay $0x3  }
0x96: {  	_ =	strace s5  }
0x97: {  	s5 =	sld [smem:$0x3FFC];
	_ =	sdelay $0x3  }
0x98: {  	_ =	strace s5  }
0x99: {  	s5 =	sld [smem:$0x3FFD];
	_ =	sdelay $0x3  }
0x9a: {  	_ =	strace s5  }
0x9b: {  	_ =	strace $0x8FFFFFFF  }
0x9c: {  	s18 =	sld [smem:$0x3FDB];
	_ =	sdelay $0x1  }
0x9d: {  	s6 =	simm.s32 $_scs_section_size  }
0x9e: {  	s7 =	simm.s32 $_size__tile_overlayer_lowered;
	s8 =	simm.s32 $_tile_overlayer_lowered  }
0x9f: {  	s21 =	simm.s32 $0x1BFF;
	s20 =	sshll.u32 s8, $0x1;
	s5 =	sadd.s32 s6, s18  }
0xa0: {  	s9 =	simm.s32 $0x0;
	s19 =	sshll.u32 s7, $0x1;
	s7 =	sadd.s32 s20, s5  }
0xa1: {  	[timem:s9], [sflag:s21] =	dma.local [hbm:s7], s19  }
0xa2: {  	_ =	swait.ge [sflag:s21], s19  }
0xa3: {  	s6 =	ssub.s32 $0x0, s19;
	[sflag:s21] =	ssyncset.done $0x0  }
0xa4: {  	[sflag:s21] =	ssyncadd.s32 s6;
	_ =	sdelay $0x1  }
0xa5: {  	s22 =	simm.s32 $0x1B8B  }
0xa6: {  	_ =	swait.ge [sflag:s22], $0x1  }
0xa7: {  	[sflag:s22] =	ssyncset.done $0x0  }
0xa8: {  	s23 =	simm.s32 $0x1B8E;
	[sflag:s22] =	ssyncadd.s32 $0xFFFFFFFF  }
0xa9: {  	s24 =	simm.s32 $execute0_lowered;
	[smem:$0x3FD2] =	sst s23  }
0xaa: {  	s6 =	sshll.u32 s24, $0x1;
	_ =	strace $0x80000046;
	[dreg:$0x1] =	wrdreg $0xFFFFFFFF  }
0xab: {  	s25 =	simm.s32 $_size_execute0_lowered;
	s5 =	sadd.s32 s5, s6;
	[dreg:$0x0] =	wrdreg $0x0  }
0xac: {  	s6 =	sshll.u32 s25, $0x1;
	[dreg:$0x2] =	wrdreg s5  }
0xad: {  	[dreg:$0x3] =	wrdreg s6  }
0xae: {  	[dreg:$0x4] =	wrdreg $0xC0  }
0xaf: {  	_ =	task [dreg:s9], $0x5FFFF  }
0xb0: {  	[dreg:$0x1] =	wrdreg $0xFFFFFFFF  }
0xb1: {  	[dreg:$0x0] =	wrdreg $0x60  }
0xb2: {  	[dreg:$0x2] =	wrdreg s14  }
0xb3: {  	[dreg:$0x3] =	wrdreg s15  }
0xb4: {  	[dreg:$0x4] =	wrdreg s16  }
0xb5: {  	[dreg:$0x5] =	wrdreg s4  }
0xb6: {  	[dreg:$0x6] =	wrdreg s17  }
0xb7: {  	[dreg:$0x7] =	wrdreg $0x9  }
0xb8: {  	_ =	task.clear_ibuf [dreg:s9], $0x8FFFF;
	_ =	strace $0x90000046  }
0xb9: {  	s26 =	simm.s32 $0x9;
	_ =	strace $0x80000048  }
0xba: {  	_ =	swait.ge [sflag:s26], $0x1  }
0xbb: {  	[sflag:s26] =	ssyncadd.s32 $0xFFFFFFFF  }
0xbc: {  	_ =	strace $0x90000048  }
0xbd: {  	_ =	sfence  }
0xbe: {  	s28 =	sld [smem:$0x0];
	_ =	sdelay $0x1  }
0xbf: {  	s29 =	srdreg.scid  }
0xc0: {  	s30 =	sshll.u32 s29, $0xD;
	s31 =	sshrl.u32 s29, $0x2  }
0xc1: {  	s1 =	sand.u32 $0x1, s29;
	s2 =	sand.u32 $0x4000, s30;
	s0 =	sadd.s32 s31, s28  }
0xc2: {  	s1 =	sor.u32 s2, s1;
	s0 =	sshll.u32 s0, $0x11  }
0xc3: {  	s0 =	sor.u32 s0, s1  }
0xc4: {  	s0 =	sadd.s32 $0x8F2B, s0  }
0xc5: {  	[sflag:s0] =	ssyncadd.remote.s32 $0x1  }
0xc6: {  	_ =	sfence.sel $0xFFFF  }
0xc7: {  	[dreg:$0x0] =	wrdreg $0xFFFFFFFF;
	(pc) =	sbr.abs _section_cstart, $3  }
0xc8: {  	[dreg:$0x1] =	wrdreg $0xFFFFFFFF  }
0xc9: {  	_ =	task.clear_ibuf [dreg:s9], $0x2FFFF;
	_ =	strace $0x9FFFFFFF  }
0xca: {  	(tm) =	ssettm $0x7FFFFFFF  }
0xcb: {  	_ =	shalt  }
tec
execute0_lowered:
.L_overlay_start_1:
0x0: {  	(tag) =	ssettag $0x1  }
0x1: {  	s2 =	rddreg [dreg:$0x0]  }
0x2: {  	s7 =	rddreg [dreg:$0x1]  }
0x3: {  	s4 =	rddreg [dreg:$0x2]  }
0x4: {  	s6 =	rddreg [dreg:$0x3];
	v0 =	vlaneseq.u32  }
0x5: {  	s1 =	rddreg [dreg:$0x4];
	s5 =	simm.s32 $0x0;
	v1 =	vmul.u32 $0x80, v0  }
0x6: {  	[smem:$0x7FF] =	sst s5  }
0x7: {  	s0 =	rddreg [dreg:$0x5];
	_ =	strace $0x80000047;
	[tilespmem:$0x0] =	vst v1;
	v2 =	vor.u32 $0x4000, v1  }
0x8: {  	[tilespmem:$0x80] =	vst v2;
	v2 =	vor.u32 $0x7F, v1  }
0x9: {  	[tilespmem:$0x100] =	vst v2;
	v2 =	vor.u32 $0x407F, v1  }
0xa: {  	[tilespmem:$0x180] =	vst v2;
	v2 =	vor.u32 $0x800, v1  }
0xb: {  	[tilespmem:$0x10] =	vst v2;
	v2 =	vor.u32 $0x4800, v1  }
0xc: {  	[tilespmem:$0x90] =	vst v2;
	v2 =	vor.u32 $0x87F, v1  }
0xd: {  	[tilespmem:$0x110] =	vst v2;
	v2 =	vor.u32 $0x487F, v1  }
0xe: {  	[tilespmem:$0x190] =	vst v2;
	v2 =	vor.u32 $0x1000, v1  }
0xf: {  	[tilespmem:$0x20] =	vst v2;
	v2 =	vor.u32 $0x5000, v1  }
0x10: {  	[tilespmem:$0xA0] =	vst v2;
	v2 =	vor.u32 $0x107F, v1  }
0x11: {  	[tilespmem:$0x120] =	vst v2;
	v2 =	vor.u32 $0x507F, v1  }
0x12: {  	[tilespmem:$0x1A0] =	vst v2;
	v2 =	vor.u32 $0x1800, v1  }
0x13: {  	[tilespmem:$0x30] =	vst v2;
	v2 =	vor.u32 $0x5800, v1  }
0x14: {  	[tilespmem:$0xB0] =	vst v2;
	v2 =	vor.u32 $0x187F, v1  }
0x15: {  	[tilespmem:$0x130] =	vst v2;
	v2 =	vor.u32 $0x587F, v1  }
0x16: {  	[tilespmem:$0x1B0] =	vst v2;
	v2 =	vor.u32 $0x2000, v1  }
0x17: {  	[tilespmem:$0x40] =	vst v2;
	v2 =	vor.u32 $0x6000, v1  }
0x18: {  	[tilespmem:$0xC0] =	vst v2;
	v2 =	vor.u32 $0x207F, v1  }
0x19: {  	[tilespmem:$0x140] =	vst v2;
	v2 =	vor.u32 $0x607F, v1  }
0x1a: {  	[tilespmem:$0x1C0] =	vst v2;
	v2 =	vor.u32 $0x2800, v1  }
0x1b: {  	[tilespmem:$0x50] =	vst v2;
	v2 =	vor.u32 $0x6800, v1  }
0x1c: {  	[tilespmem:$0xD0] =	vst v2;
	v2 =	vor.u32 $0x287F, v1  }
0x1d: {  	[tilespmem:$0x150] =	vst v2;
	v2 =	vor.u32 $0x687F, v1  }
0x1e: {  	[tilespmem:$0x1D0] =	vst v2;
	v2 =	vor.u32 $0x3000, v1  }
0x1f: {  	[tilespmem:$0x60] =	vst v2;
	v2 =	vor.u32 $0x7000, v1  }
0x20: {  	[tilespmem:$0xE0] =	vst v2;
	v2 =	vor.u32 $0x307F, v1  }
0x21: {  	[tilespmem:$0x160] =	vst v2;
	v2 =	vor.u32 $0x707F, v1  }
0x22: {  	[tilespmem:$0x1E0] =	vst v2;
	v2 =	vor.u32 $0x3800, v1  }
0x23: {  	[tilespmem:$0x70] =	vst v2;
	v2 =	vor.u32 $0x7800, v1  }
0x24: {  	[tilespmem:$0xF0] =	vst v2;
	v2 =	vor.u32 $0x387F, v1  }
0x25: {  	v1 =	vor.u32 $0x787F, v1;
	[tilespmem:$0x170] =	vst v2  }
0x26: {  	s3 =	simm.s32 $0x80;
	s8 =	simm.s32 $0x200;
	[tilespmem:$0x1F0] =	vst v1  }
0x27: {  	[tilespmem:s8], [sflag:$0x1] =	stream.indirect.gather [hbm4b:s2+s3], $0x1, s5, s3, $0xb8;
	[tilespmem:$0x2500] =	vst v63  }
0x28: {  	s9 =	simm.s32 $0x280  }
0x29: {  	[tilespmem:s9], [sflag:$0x1] =	stream.indirect.gather [hbm4b:s2+s3], $0x1, s3, s3, $0xb8;
	[tilespmem:$0x2500] =	vst v63  }
0x2a: {  	s10 =	simm.s32 $0x100;
	s25 =	simm.s32 $0x300  }
0x2b: {  	[tilespmem:s25], [sflag:$0x1] =	stream.indirect.gather [hbm4b:s2+s3], $0x1, s10, s3, $0xb8;
	[tilespmem:$0x2500] =	vst v63  }
0x2c: {  	s26 =	simm.s32 $0x180;
	s11 =	simm.s32 $0x380;
	s28 =	simm.s32 $0x1  }
0x2d: {  	[tilespmem:s11], [sflag:$0x1] =	stream.indirect.gather [hbm4b:s2+s3], $0x1, s26, s3, $0xb8;
	[tilespmem:$0x2500] =	vst v63  }
0x2e: {  	_ =	swait.ge [sflag:s28], $0x80  }
0x2f: {  	[sflag:s28] =	ssyncset.done $0x0  }
0x30: {  	[sflag:s28] =	ssyncadd.s32 $0xFFFFFF80  }
0x31: {  	_ =	swait.ge [sflag:s28], $0x80  }
0x32: {  	[sflag:s28] =	ssyncset.done $0x0  }
0x33: {  	s2 =	stileid.u32;
	[sflag:s28] =	ssyncadd.s32 $0xFFFFFF80  }
0x34: {  	s3 =	sshll.u32 s2, $0x4;
	_ =	swait.ge [sflag:s28], $0x80  }
0x35: {  	v1 =	vor.u32 s3, v0;
	[sflag:s28] =	ssyncset.done $0x0  }
0x36: {  	v2 =	vimm.s32 $0x80;
	[sflag:s28] =	ssyncadd.s32 $0xFFFFFF80  }
0x37: {  	_ =	swait.ge [sflag:s28], $0x80  }
0x38: {  	[sflag:s28] =	ssyncset.done $0x0  }
0x39: {  	[sflag:s28] =	ssyncadd.s32 $0xFFFFFF80  }
0x3a: {  	v3 =	vld.idx.msk [tilespmem:v1+s25+$0x0], $0xffff  }
0x3b: {  	v4 =	vld.idx.msk [tilespmem:v2+s8+$0x0], $0xffff  }
0x3c: {  	v5 =	vld.idx.msk [tilespmem:v1+s8+$0x0], $0xffff  }
0x3d: {  	v6 =	vld.idx.msk [tilespmem:v2+s25+$0x0], $0xffff;
	_ =	sdelay $0x3  }
0x3e: {  	v29 =	vimm.s32 $0xC0;
	vm0 =	vgt.s32 v4, v3  }
0x3f: {  	v30 =	vimm.s32 $0x40;
	vm1 =	vlt.s32 v6, v5;
	v4 =	vsel vm0, $0x40, v29  }
0x40: {  	v6 =	vsel vm1, $0xC0, v30;
	_ =	sdelay $0x3  }
0x41: {  	v7 =	vld.idx.msk [tilespmem:v4+s8+$0x0], $0xffff  }
0x42: {  	v8 =	vld.idx.msk [tilespmem:v6+s25+$0x0], $0xffff;
	_ =	sdelay $0x1  }
0x43: {  	v9 =	vimm.s32 $0x81;
	v10 =	vimm.s32 $0x100;
	v11 =	vimm.s32 $0x0  }
0x44: {  	v9 =	vsel vm0, $0x0, v9;
	v10 =	vsel vm0, $0x80, v10;
	v11 =	vsel vm1, $0x81, v11  }
0x45: {  	v2 =	vsel vm1, $0x100, v2;
	v31 =	vor.u32 $0x1, v4;
	vm14 =	vgt.s32 v7, v3  }
0x46: {  	v32 =	vor.u32 $0x1, v6;
	vm15 =	vlt.s32 v8, v5;
	v4 =	vsel vm14, v4, v10  }
0x47: {  	v7 =	vsel vm14, v9, v31;
	v2 =	vsel vm15, v2, v6;
	v33 =	vadd.s32 $0xFFFFFFFF, v4  }
0x48: {  	v8 =	vsel vm15, v32, v11;
	v35 =	vadd.s32 $0xFFFFFFFF, v2;
	v34 =	vxor.u32 v33, v7  }
0x49: {  	v9 =	vor.u32 v33, v7;
	v36 =	vxor.u32 v35, v8;
	v6 =	vshrl.u32 v34, $0x1  }
0x4a: {  	v10 =	vor.u32 v35, v8;
	v6 =	vsub.s32 v9, v6;
	v9 =	vshrl.u32 v36, $0x1  }
0x4b: {  	v9 =	vsub.s32 v10, v9;
	_ =	sdelay $0x3  }
0x4c: {  	v37 =	vld.idx.msk [tilespmem:v6+s8+$0x0], $0xffff  }
0x4d: {  	v38 =	vld.idx.msk [tilespmem:v9+s25+$0x0], $0xffff;
	_ =	sdelay $0x3  }
0x4e: {  	v39 =	vor.u32 $0x1, v6;
	v40 =	vor.u32 $0x1, v9;
	vm4 =	vgt.s32 v37, v3  }
0x4f: {  	v7 =	vsel vm4, v7, v39;
	v4 =	vsel vm4, v6, v4;
	vm5 =	vlt.s32 v38, v5  }
0x50: {  	v6 =	vsel vm5, v40, v8;
	v41 =	vxor.u32 v4, v7;
	v2 =	vsel vm5, v2, v9  }
0x51: {  	v42 =	vand.u32 v4, v7;
	v8 =	vshrl.u32 v41, $0x1;
	v43 =	vxor.u32 v2, v6  }
0x52: {  	v44 =	vand.u32 v2, v6;
	v8 =	vadd.s32 v8, v42;
	v9 =	vshrl.u32 v43, $0x1  }
0x53: {  	v9 =	vadd.s32 v9, v44;
	_ =	sdelay $0x3  }
0x54: {  	v45 =	vld.idx.msk [tilespmem:v8+s8+$0x0], $0xffff  }
0x55: {  	v46 =	vld.idx.msk [tilespmem:v9+s25+$0x0], $0xffff;
	_ =	sdelay $0x3  }
0x56: {  	v47 =	vadd.s32 $0x1, v8;
	v48 =	vadd.s32 $0x1, v9;
	vm6 =	vgt.s32 v45, v3  }
0x57: {  	v7 =	vsel vm6, v7, v47;
	v4 =	vsel vm6, v8, v4;
	vm7 =	vlt.s32 v46, v5  }
0x58: {  	v10 =	vadd.s32 v4, v7;
	v6 =	vsel vm7, v48, v6;
	v2 =	vsel vm7, v2, v9  }
0x59: {  	v49 =	vshrl.u32 v10, $0x1;
	v9 =	vadd.s32 v2, v6  }
0x5a: {  	v9 =	vshrl.u32 v9, $0x1;
	_ =	sdelay $0x3  }
0x5b: {  	v10 =	vld.idx.msk [tilespmem:v49+s8+$0x0], $0xffff  }
0x5c: {  	v50 =	vld.idx.msk [tilespmem:v9+s25+$0x0], $0xffff;
	_ =	sdelay $0x3  }
0x5d: {  	v51 =	vadd.s32 $0x1, v49;
	v52 =	vadd.s32 $0x1, v9;
	vm8 =	vgt.s32 v10, v3  }
0x5e: {  	v7 =	vsel vm8, v7, v51;
	v4 =	vsel vm8, v49, v4;
	vm9 =	vlt.s32 v50, v5  }
0x5f: {  	v10 =	vadd.s32 v4, v7;
	v6 =	vsel vm9, v52, v6;
	v2 =	vsel vm9, v2, v9  }
0x60: {  	v53 =	vshrl.u32 v10, $0x1;
	v9 =	vadd.s32 v2, v6  }
0x61: {  	v9 =	vshrl.u32 v9, $0x1;
	_ =	sdelay $0x3  }
0x62: {  	v10 =	vld.idx.msk [tilespmem:v53+s8+$0x0], $0xffff  }
0x63: {  	v54 =	vld.idx.msk [tilespmem:v9+s25+$0x0], $0xffff;
	_ =	sdelay $0x3  }
0x64: {  	v55 =	vadd.s32 $0x1, v53;
	v56 =	vadd.s32 $0x1, v9;
	vm10 =	vgt.s32 v10, v3  }
0x65: {  	v7 =	vsel vm10, v7, v55;
	v4 =	vsel vm10, v53, v4;
	vm11 =	vlt.s32 v54, v5  }
0x66: {  	v10 =	vadd.s32 v4, v7;
	v6 =	vsel vm11, v56, v6;
	v2 =	vsel vm11, v2, v9  }
0x67: {  	v57 =	vshrl.u32 v10, $0x1;
	v9 =	vadd.s32 v2, v6  }
0x68: {  	v9 =	vshrl.u32 v9, $0x1;
	_ =	sdelay $0x3  }
0x69: {  	v10 =	vld.idx.msk [tilespmem:v57+s8+$0x0], $0xffff  }
0x6a: {  	v58 =	vld.idx.msk [tilespmem:v9+s25+$0x0], $0xffff;
	_ =	sdelay $0x3  }
0x6b: {  	v59 =	vadd.s32 $0x1, v57;
	v60 =	vadd.s32 $0x1, v9;
	vm12 =	vgt.s32 v10, v3  }
0x6c: {  	v7 =	vsel vm12, v7, v59;
	v4 =	vsel vm12, v57, v4;
	vm13 =	vlt.s32 v58, v5  }
0x6d: {  	v6 =	vsel vm13, v60, v6;
	v2 =	vsel vm13, v2, v9;
	v4 =	vadd.s32 v4, v7  }
0x6e: {  	v4 =	vshrl.u32 v4, $0x1;
	v2 =	vadd.s32 v2, v6  }
0x6f: {  	v2 =	vshrl.u32 v2, $0x1;
	_ =	sdelay $0x3  }
0x70: {  	v61 =	vld.idx.msk [tilespmem:v4+s8+$0x0], $0xffff  }
0x71: {  	v62 =	vld.idx.msk [tilespmem:v2+s25+$0x0], $0xffff;
	_ =	sdelay $0x3  }
0x72: {  	v2 =	vadd.s32 $0x1, v2  }
0x73: {  	vm14 =	vgt.s32 v61, v3;
	v3 =	vadd.s32 $0x1, v4;
	vm15 =	vlt.s32 v62, v5  }
0x74: {  	v3 =	vsel vm14, v7, v3;
	v2 =	vsel vm15, v2, v6  }
0x75: {  	v63 =	vadd.s32 $0x1, v0;
	v1 =	vsub.s32 v3, v1;
	v2 =	vsub.s32 s3, v2  }
0x76: {  	s29 =	sshll.u32 s2, $0x1;
	[tilespmem:$0x410] =	vst v1;
	v2 =	vadd.s32 v63, v2  }
0x77: {  	s30 =	simm.s32 $0x410;
	s7 =	sadd.s32 s7, s29;
	[tilespmem:$0x490] =	vst v2  }
0x78: {  	[hbm4b:s7+s5] =	stream.linear.scatter [tilespmem:s30], [sflag:$0x1], $0x10, $0x38;
	[tilespmem:$0x2500] =	vst v63  }
0x79: {  	s31 =	simm.s32 $0x490;
	s6 =	sadd.s32 s6, s29  }
0x7a: {  	[hbm4b:s6+s5] =	stream.linear.scatter [tilespmem:s31], [sflag:$0x1], $0x10, $0x38;
	[tilespmem:$0x2500] =	vst v63  }
0x7b: {  	s7 =	simm.s32 $0x0;
	s6 =	simm.s32 $0x400  }
.LBB2_1:
0x7c: {  	v1 =	vmov s7  }
0x7d: {  	v1 =	vadd.s32 $0x10, v1  }
0x7e: {  	v1 =	vbroadcast v1, $0x0;
	_ =	sdelay $0x5  }
0x7f: {  	v3 =	vld.idx.msk [tilespmem:v1+s6+$0x0], $0xffff;
	_ =	sdelay $0x2  }
0x80: {  	s8 =	sor.u32 s3, s7;
	s11 =	simm.s32 $0x0  }
0x81: {  	s9 =	sshll.u32 s7, $0x7;
	s12 =	simm.s32 $0x10;
	s14 =	simm.s32 $0x20;
	v2 =	vmov s8;
	v5 =	vor.u32 s11, v0  }
0x82: {  	s15 =	simm.s32 $0x30;
	s29 =	sand.u32 $0x380, s9;
	v6 =	vor.u32 s12, v0;
	v8 =	vor.u32 s14, v0;
	v4 =	vadd.s32 s8, v3  }
0x83: {  	v12 =	vor.u32 s15, v0;
	v1 =	vmov s29;
	vm0 =	vlt.s32 v5, v4  }
0x84: {  	vm1 =	vlt.s32 v6, v4;
	vm2 =	vlt.s32 v8, v4;
	v7 =	vnsel vm0, $0x0, v3  }
0x85: {  	vm0 =	vlt.s32 v6, v3;
	v9 =	vnsel vm1, $0x0, v3;
	vm1 =	vlt.s32 v5, v3  }
0x86: {  	s10 =	sshll.u32 s7, $0x8;
	v10 =	vnsel vm2, $0x0, v3;
	vm2 =	vlt.s32 v12, v4;
	v7 =	vsub.s32 $0x0, v7  }
0x87: {  	s13 =	simm.s32 $0x40;
	s10 =	sand.u32 $0x800, s10;
	v9 =	vsub.s32 $0x0, v9;
	v10 =	vsub.s32 $0x0, v10;
	v62 =	vnsel vm2, $0x0, v3  }
0x88: {  	s16 =	sand.u32 $0x400, s5;
	s9 =	simm.s32 $0x50;
	s10 =	sor.u32 $0x500, s10;
	v7 =	vsel vm1, v2, v7;
	v9 =	vsel vm0, v2, v9;
	vm0 =	vlt.s32 v8, v3  }
0x89: {  	s17 =	sand.u32 $0x40, s11;
	s16 =	sadd.s32 s16, s10;
	s8 =	simm.s32 $0x60;
	v11 =	vadd.s32 v5, v7;
	v9 =	vadd.s32 v6, v9;
	v10 =	vsel vm0, v2, v10  }
0x8a: {  	s17 =	sadd.s32 s17, s16;
	v6 =	vor.u32 s13, v0;
	v7 =	vor.u32 s9, v0;
	v5 =	vor.u32 s8, v0  }
0x8b: {  	s12 =	sand.u32 $0x50, s12;
	vm0 =	vlt.s32 v6, v4;
	vm1 =	vlt.s32 v7, v4;
	[tilespmem:v1+s17+$0x0 ss:$0x1] =	vst.idx.msk $0xffff, v11;
	v11 =	vsub.s32 $0x0, v62  }
0x8c: {  	s30 =	sadd.s32 s12, s16;
	v13 =	vnsel vm0, $0x0, v3;
	vm0 =	vlt.s32 v7, v3;
	v14 =	vnsel vm1, $0x0, v3  }
0x8d: {  	vm1 =	vlt.s32 v6, v3;
	[tilespmem:v1+s30+$0x0 ss:$0x1] =	vst.idx.msk $0xffff, v9;
	v13 =	vsub.s32 $0x0, v13;
	v14 =	vsub.s32 $0x0, v14  }
0x8e: {  	v9 =	vadd.s32 v8, v10;
	v13 =	vsel vm1, v2, v13;
	v14 =	vsel vm0, v2, v14  }
0x8f: {  	s11 =	simm.s32 $0x70;
	s14 =	sand.u32 $0x60, s14;
	s15 =	sand.u32 $0x70, s15;
	vm0 =	vlt.s32 v5, v4;
	vm1 =	vlt.s32 v12, v3;
	v6 =	vadd.s32 v6, v13  }
0x90: {  	s12 =	simm.s32 $0x4;
	s31 =	sadd.s32 s14, s16;
	s14 =	simm.s32 $0xB0;
	v7 =	vadd.s32 v7, v14;
	v63 =	vnsel vm0, $0x0, v3;
	v10 =	vsel vm1, v2, v11  }
0x91: {  	s16 =	sadd.s32 s15, s16;
	s15 =	simm.s32 $0x200;
	s13 =	sand.u32 $0x40, s13;
	[tilespmem:v1+s31+$0x0 ss:$0x1] =	vst.idx.msk $0xffff, v9;
	vm0 =	vlt.s32 v5, v3;
	v8 =	vsub.s32 $0x0, v63;
	v9 =	vadd.s32 v12, v10  }
.LBB2_2:
0x92: {  	s17 =	sadd.s32 $0xFFFFFFD0, s14;
	s18 =	sadd.s32 $0xFFFFFFE0, s14;
	s19 =	sadd.s32 $0xFFFFFFF0, s14;
	v8 =	vsel vm0, v2, v8;
	v10 =	vor.u32 s11, v0;
	[tilespmem:v1+s16+$0x0 ss:$0x1] =	vst.idx.msk $0xffff, v9;
	v9 =	vmov v7  }
0x93: {  	s12 =	sadd.s32 $0x4, s12;
	v7 =	vor.u32 s17, v0;
	s16 =	sand.u32 $0x40, s17;
	v11 =	vor.u32 s18, v0;
	v12 =	vor.u32 s19, v0;
	s17 =	smov.u32 s11  }
0x94: {  	p0 =	slt.u32 s12, $0xC;
	vm2 =	vlt.s32 v10, v4;
	s11 =	smov.u32 s14;
	vm0 =	vlt.s32 v7, v4;
	vm1 =	vlt.s32 v11, v4  }
0x95: {  	v13 =	vnsel vm0, $0x0, v3;
	vm0 =	vlt.s32 v11, v3;
	v14 =	vnsel vm1, $0x0, v3  }
0x96: {  	s20 =	sand.u32 $0x400, s15;
	vm1 =	vlt.s32 v7, v3;
	v13 =	vsub.s32 $0x0, v13;
	v14 =	vsub.s32 $0x0, v14  }
.Ltmp0:
0x97: {  	s20 =	sadd.s32 s20, s10;
	v13 =	vsel vm1, v2, v13;
	v14 =	vsel vm0, v2, v14;
	vm1 =	vlt.s32 v12, v4;
	(pc) =	sbr.rel @p0 .LBB2_2-.Ltmp0, $4  }
0x98: {  	s21 =	sand.u32 $0x50, s9;
	s9 =	smov.u32 s18;
	s13 =	sadd.s32 s13, s20;
	v13 =	vadd.s32 v7, v13;
	v7 =	vadd.s32 v11, v14;
	v11 =	vnsel vm2, $0x0, v3  }
0x99: {  	s18 =	sand.u32 $0x60, s8;
	s8 =	smov.u32 s19;
	vm0 =	vlt.s32 v12, v3;
	vm2 =	vlt.s32 v10, v3;
	[tilespmem:v1+s13+$0x0 ss:$0x1] =	vst.idx.msk $0xffff, v6;
	s13 =	sadd.s32 s21, s20;
	v16 =	vsub.s32 $0x0, v11  }
0x9a: {  	s18 =	sadd.s32 s18, s20;
	s17 =	sand.u32 $0x70, s17;
	v14 =	vadd.s32 v5, v8;
	v11 =	vnsel vm1, $0x0, v3;
	[tilespmem:v1+s13+$0x0 ss:$0x1] =	vst.idx.msk $0xffff, v9;
	v15 =	vsel vm2, v2, v16;
	s13 =	smov.u32 s16  }
0x9b: {  	s15 =	sadd.s32 $0x200, s15;
	s14 =	sadd.s32 $0x40, s14;
	v5 =	vmovc v12;
	v6 =	vmov v13;
	v8 =	vsub.s32 $0x0, v11;
	s16 =	sadd.s32 s17, s20;
	[tilespmem:v1+s18+$0x0 ss:$0x1] =	vst.idx.msk $0xffff, v14;
	v9 =	vadd.s32 v10, v15  }
0x9c: {  	_ =	sdelay $0x1  }
0x9d: {  	v10 =	vor.u32 s11, v0;
	s12 =	sand.u32 $0x400, s15;
	s7 =	sadd.s32 $0x1, s7  }
0x9e: {  	vm1 =	vlt.s32 v10, v4;
	s10 =	sadd.s32 s12, s10;
	p0 =	sne.s32 s7, $0x10  }
.Ltmp1:
0x9f: {  	[tilespmem:v1+s16+$0x0 ss:$0x1] =	vst.idx.msk $0xffff, v9;
	s9 =	sand.u32 $0x50, s9;
	v4 =	vnsel vm1, $0x0, v3;
	s12 =	sadd.s32 s13, s10;
	(pc) =	sbr.rel @p0 .LBB2_1-.Ltmp1, $4  }
0xa0: {  	v8 =	vsel vm0, v2, v8;
	s8 =	sand.u32 $0x60, s8;
	vm15 =	vlt.s32 v10, v3;
	s9 =	sadd.s32 s9, s10;
	[tilespmem:v1+s12+$0x0 ss:$0x1] =	vst.idx.msk $0xffff, v6;
	v3 =	vsub.s32 $0x0, v4  }
0xa1: {  	s30 =	sand.u32 $0x70, s11;
	v63 =	vadd.s32 v5, v8;
	s8 =	sadd.s32 s8, s10;
	[tilespmem:v1+s9+$0x0 ss:$0x1] =	vst.idx.msk $0xffff, v7;
	v2 =	vsel vm15, v2, v3  }
0xa2: {  	s31 =	sadd.s32 s30, s10;
	[tilespmem:v1+s8+$0x0 ss:$0x1] =	vst.idx.msk $0xffff, v63;
	v2 =	vadd.s32 v10, v2  }
0xa3: {  	[tilespmem:v1+s31+$0x0 ss:$0x1] =	vst.idx.msk $0xffff, v2  }
0xa4: {  	s5 =	sshll.u32 s2, $0x9  }
0xa5: {  	s7 =	simm.s32 $0x500;
	s6 =	sadd.s32 s4, s5;
	s4 =	simm.s32 $0x0  }
0xa6: {  	[hbm4b:s6+s4] =	stream.linear.scatter [tilespmem:s7], [sflag:$0x1], $0x1000, $0x38;
	[tilespmem:$0x2500] =	vst v63  }
0xa7: {  	v0 =	vlaneseq.u32;
	s6 =	simm.s32 $0x480;
	s7 =	simm.s32 $0x0  }
.LBB2_5:
0xa8: {  	v1 =	vmov s7  }
0xa9: {  	v1 =	vadd.s32 $0x10, v1  }
0xaa: {  	v1 =	vbroadcast v1, $0x0;
	_ =	sdelay $0x5  }
0xab: {  	v2 =	vld.idx.msk [tilespmem:v1+s6+$0x0], $0xffff;
	_ =	sdelay $0x2  }
0xac: {  	s8 =	sor.u32 s3, s7  }
0xad: {  	s9 =	sshll.u32 s7, $0x7;
	s11 =	simm.s32 $0x0;
	s12 =	simm.s32 $0x10  }
0xae: {  	s14 =	simm.s32 $0x20;
	s15 =	simm.s32 $0x30;
	v5 =	vor.u32 s11, v0;
	v6 =	vor.u32 s12, v0;
	v1 =	vsub.s32 s8, v2;
	s8 =	sadd.s32 $0x1, s8  }
0xaf: {  	s29 =	sand.u32 $0x380, s9;
	v8 =	vor.u32 s14, v0;
	v12 =	vor.u32 s15, v0;
	v4 =	vmov s8  }
0xb0: {  	v3 =	vadd.s32 $0x1, v1;
	v1 =	vmov s29;
	vm0 =	vlt.u32 v5, v4  }
0xb1: {  	vm1 =	vlt.u32 v6, v4;
	vm2 =	vlt.u32 v8, v4;
	v7 =	vnsel vm0, $0x0, v2  }
0xb2: {  	vm0 =	vlt.s32 v6, v2;
	v9 =	vnsel vm1, $0x0, v2;
	vm1 =	vlt.s32 v5, v2  }
0xb3: {  	s10 =	sshll.u32 s7, $0x8;
	v10 =	vnsel vm2, $0x0, v2;
	vm2 =	vlt.u32 v12, v4;
	v7 =	vsub.s32 $0x0, v7  }
0xb4: {  	s13 =	simm.s32 $0x40;
	s10 =	sand.u32 $0x800, s10;
	v9 =	vsub.s32 $0x0, v9;
	v10 =	vsub.s32 $0x0, v10;
	v62 =	vnsel vm2, $0x0, v2  }
0xb5: {  	s16 =	sand.u32 $0x400, s4;
	s9 =	simm.s32 $0x50;
	s10 =	sor.u32 $0x1500, s10;
	v7 =	vsel vm1, v3, v7;
	v9 =	vsel vm0, v3, v9;
	vm0 =	vlt.s32 v8, v2  }
0xb6: {  	s17 =	sand.u32 $0x40, s11;
	s16 =	sadd.s32 s16, s10;
	s8 =	simm.s32 $0x60;
	v11 =	vadd.s32 v5, v7;
	v9 =	vadd.s32 v6, v9;
	v10 =	vsel vm0, v3, v10  }
0xb7: {  	s17 =	sadd.s32 s17, s16;
	v6 =	vor.u32 s13, v0;
	v7 =	vor.u32 s9, v0;
	v5 =	vor.u32 s8, v0  }
0xb8: {  	s12 =	sand.u32 $0x50, s12;
	vm0 =	vlt.u32 v6, v4;
	vm1 =	vlt.u32 v7, v4;
	[tilespmem:v1+s17+$0x0 ss:$0x1] =	vst.idx.msk $0xffff, v11;
	v11 =	vsub.s32 $0x0, v62  }
0xb9: {  	s30 =	sadd.s32 s12, s16;
	v13 =	vnsel vm0, $0x0, v2;
	vm0 =	vlt.s32 v7, v2;
	v14 =	vnsel vm1, $0x0, v2  }
0xba: {  	vm1 =	vlt.s32 v6, v2;
	[tilespmem:v1+s30+$0x0 ss:$0x1] =	vst.idx.msk $0xffff, v9;
	v13 =	vsub.s32 $0x0, v13;
	v14 =	vsub.s32 $0x0, v14  }
0xbb: {  	v9 =	vadd.s32 v8, v10;
	v13 =	vsel vm1, v3, v13;
	v14 =	vsel vm0, v3, v14  }
0xbc: {  	s11 =	simm.s32 $0x70;
	s14 =	sand.u32 $0x60, s14;
	s15 =	sand.u32 $0x70, s15;
	vm0 =	vlt.u32 v5, v4;
	vm1 =	vlt.s32 v12, v2;
	v6 =	vadd.s32 v6, v13  }
0xbd: {  	s12 =	simm.s32 $0x4;
	s31 =	sadd.s32 s14, s16;
	s14 =	simm.s32 $0xB0;
	v7 =	vadd.s32 v7, v14;
	v63 =	vnsel vm0, $0x0, v2;
	v10 =	vsel vm1, v3, v11  }
0xbe: {  	s16 =	sadd.s32 s15, s16;
	s15 =	simm.s32 $0x200;
	s13 =	sand.u32 $0x40, s13;
	[tilespmem:v1+s31+$0x0 ss:$0x1] =	vst.idx.msk $0xffff, v9;
	vm0 =	vlt.s32 v5, v2;
	v8 =	vsub.s32 $0x0, v63;
	v9 =	vadd.s32 v12, v10  }
.LBB2_6:
0xbf: {  	s17 =	sadd.s32 $0xFFFFFFD0, s14;
	s18 =	sadd.s32 $0xFFFFFFE0, s14;
	s19 =	sadd.s32 $0xFFFFFFF0, s14;
	v8 =	vsel vm0, v3, v8;
	v10 =	vor.u32 s11, v0;
	[tilespmem:v1+s16+$0x0 ss:$0x1] =	vst.idx.msk $0xffff, v9;
	v9 =	vmov v7  }
0xc0: {  	s12 =	sadd.s32 $0x4, s12;
	v7 =	vor.u32 s17, v0;
	s16 =	sand.u32 $0x40, s17;
	v11 =	vor.u32 s18, v0;
	v12 =	vor.u32 s19, v0;
	s17 =	smov.u32 s11  }
0xc1: {  	p0 =	slt.u32 s12, $0xC;
	vm2 =	vlt.u32 v10, v4;
	s11 =	smov.u32 s14;
	vm0 =	vlt.u32 v7, v4;
	vm1 =	vlt.u32 v11, v4  }
0xc2: {  	v13 =	vnsel vm0, $0x0, v2;
	vm0 =	vlt.s32 v11, v2;
	v14 =	vnsel vm1, $0x0, v2  }
0xc3: {  	s20 =	sand.u32 $0x400, s15;
	vm1 =	vlt.s32 v7, v2;
	v13 =	vsub.s32 $0x0, v13;
	v14 =	vsub.s32 $0x0, v14  }
.Ltmp2:
0xc4: {  	s20 =	sadd.s32 s20, s10;
	v13 =	vsel vm1, v3, v13;
	v14 =	vsel vm0, v3, v14;
	vm1 =	vlt.u32 v12, v4;
	(pc) =	sbr.rel @p0 .LBB2_6-.Ltmp2, $4  }
0xc5: {  	s21 =	sand.u32 $0x50, s9;
	s9 =	smov.u32 s18;
	s13 =	sadd.s32 s13, s20;
	v13 =	vadd.s32 v7, v13;
	v7 =	vadd.s32 v11, v14;
	v11 =	vnsel vm2, $0x0, v2  }
0xc6: {  	s18 =	sand.u32 $0x60, s8;
	s8 =	smov.u32 s19;
	vm0 =	vlt.s32 v12, v2;
	vm2 =	vlt.s32 v10, v2;
	[tilespmem:v1+s13+$0x0 ss:$0x1] =	vst.idx.msk $0xffff, v6;
	s13 =	sadd.s32 s21, s20;
	v16 =	vsub.s32 $0x0, v11  }
0xc7: {  	s18 =	sadd.s32 s18, s20;
	s17 =	sand.u32 $0x70, s17;
	v14 =	vadd.s32 v5, v8;
	v11 =	vnsel vm1, $0x0, v2;
	[tilespmem:v1+s13+$0x0 ss:$0x1] =	vst.idx.msk $0xffff, v9;
	v15 =	vsel vm2, v3, v16;
	s13 =	smov.u32 s16  }
0xc8: {  	s15 =	sadd.s32 $0x200, s15;
	s14 =	sadd.s32 $0x40, s14;
	v5 =	vmovc v12;
	v6 =	vmov v13;
	v8 =	vsub.s32 $0x0, v11;
	s16 =	sadd.s32 s17, s20;
	[tilespmem:v1+s18+$0x0 ss:$0x1] =	vst.idx.msk $0xffff, v14;
	v9 =	vadd.s32 v10, v15  }
0xc9: {  	_ =	sdelay $0x1  }
0xca: {  	v10 =	vor.u32 s11, v0;
	s12 =	sand.u32 $0x400, s15;
	s7 =	sadd.s32 $0x1, s7  }
0xcb: {  	vm1 =	vlt.u32 v10, v4;
	s10 =	sadd.s32 s12, s10;
	p0 =	sne.s32 s7, $0x10  }
.Ltmp3:
0xcc: {  	[tilespmem:v1+s16+$0x0 ss:$0x1] =	vst.idx.msk $0xffff, v9;
	s9 =	sand.u32 $0x50, s9;
	v4 =	vnsel vm1, $0x0, v2;
	s12 =	sadd.s32 s13, s10;
	(pc) =	sbr.rel @p0 .LBB2_5-.Ltmp3, $4  }
0xcd: {  	v8 =	vsel vm0, v3, v8;
	s8 =	sand.u32 $0x60, s8;
	vm15 =	vlt.s32 v10, v2;
	s9 =	sadd.s32 s9, s10;
	[tilespmem:v1+s12+$0x0 ss:$0x1] =	vst.idx.msk $0xffff, v6;
	v2 =	vsub.s32 $0x0, v4  }
0xce: {  	s30 =	sand.u32 $0x70, s11;
	v63 =	vadd.s32 v5, v8;
	s8 =	sadd.s32 s8, s10;
	[tilespmem:v1+s9+$0x0 ss:$0x1] =	vst.idx.msk $0xffff, v7;
	v2 =	vsel vm15, v3, v2  }
0xcf: {  	s31 =	sadd.s32 s30, s10;
	[tilespmem:v1+s8+$0x0 ss:$0x1] =	vst.idx.msk $0xffff, v63;
	v2 =	vadd.s32 v10, v2  }
0xd0: {  	[tilespmem:v1+s31+$0x0 ss:$0x1] =	vst.idx.msk $0xffff, v2  }
0xd1: {  	s1 =	sadd.s32 s1, s5  }
0xd2: {  	s3 =	simm.s32 $0x0;
	s4 =	simm.s32 $0x1500;
	s31 =	simm.s32 $0x1  }
0xd3: {  	[hbm4b:s1+s3] =	stream.linear.scatter [tilespmem:s4], [sflag:$0x1], $0x1000, $0x38;
	[tilespmem:$0x2500] =	vst v63  }
0xd4: {  	_ =	swait.ge [sflag:s31], $0x10  }
0xd5: {  	[sflag:s31] =	ssyncset.done $0x0  }
0xd6: {  	[sflag:s31] =	ssyncadd.s32 $0xFFFFFFF0  }
0xd7: {  	_ =	swait.ge [sflag:s31], $0x10  }
0xd8: {  	[sflag:s31] =	ssyncset.done $0x0  }
0xd9: {  	[sflag:s31] =	ssyncadd.s32 $0xFFFFFFF0  }
0xda: {  	_ =	swait.ge [sflag:s31], $0x1000  }
0xdb: {  	[sflag:s31] =	ssyncset.done $0x0  }
0xdc: {  	[sflag:s31] =	ssyncadd.s32 $0xFFFFF000  }
0xdd: {  	_ =	swait.ge [sflag:s31], $0x1000  }
0xde: {  	[sflag:s31] =	ssyncset.done $0x0  }
0xdf: {  	[sflag:s31] =	ssyncadd.s32 $0xFFFFF000  }
0xe0: {  	_ =	sfence.sel $0x180000  }
0xe1: {  	[bflag:$0x0] =	sbarrier.arrive $0xFFFF  }
0xe2: {  	p0 =	sne.s32 s2, $0x0;
	_ =	strace $0x90000047  }
0xe3: {  	s0 =	sadd.s32 @!p0 $0x100000, s0;
	[bflag:$0x2] =	sbarrier.arrive $0xFFFF  }
0xe4: {  	[sflag:s0] =	ssyncadd.tile.s32 @!p0 $0x1;
	_ =	shalt  }
.Lfunc_end2:
_tile_overlayer_lowered:
.L_overlay_start_2:
0xe5: {  	(tag) =	ssettag $0x2  }
0xe6: {  	s0 =	rddreg [dreg:$0x0];
	s2 =	stileid.u32  }
0xe7: {  	s1 =	rddreg [dreg:$0x1];
	p0 =	sne.s32 s2, $0x0  }
0xe8: {  	s3 =	rddreg [dreg:$0x2];
	[bflag:$0x3] =	sbarrier.arrive $0xFFFF;
	s2 =	simm.s32 @!p0 $0x1C02  }
0xe9: {  	[timem:s3], [sflag:s2] =	dma.local @!p0 [hbm:s0], s1  }
0xea: {  	s0 =	simm.s32 @!p0 $0x2  }
0xeb: {  	_ =	swait.ge @!p0 [sflag:s0], s1  }
0xec: {  	s1 =	ssub.s32 @!p0 $0x0, s1;
	[sflag:s0] =	ssyncset.done @!p0 $0x0  }
0xed: {  	[sflag:s0] =	ssyncadd.s32 @!p0 s1  }
0xee: {  	[bflag:$0x3] =	sbarrier.arrive $0xFFFF  }
0xef: {  	_ =	shalt  }

</sc_bundles>
